<compile_context>
chip_gen: v7x
topology: tpu7x:2x2x1
jax: 0.10.2.dev20260603
libtpu: 0.0.44.dev20260713+nightly
codegen_flags: <defaults>
</compile_context>

<pallas_src>
import functools

import jax
import jax.numpy as jnp
from jax import lax
from jax.experimental import pallas as pl
from jax.experimental.pallas import tpu as pltpu
from jax.experimental.pallas import tpu_sc as plsc

_B = 16384
_N = 512
_MAX_ELEM = 94
_NC = 2
_NS = 16
_NW = _NC * _NS
_ROWS_PER_W = _B // _NW
_CHUNK = 64
_NCHUNK = _ROWS_PER_W // _CHUNK
_GROUPS = _CHUNK // 16
_TBL = 256 * _MAX_ELEM


def _body(idx_hbm, tbl_hbm, out_hbm, idx_a, idx_b, tbl_v, out_v, sem_a, sem_b):
    wid = lax.axis_index("s") * _NC + lax.axis_index("c")
    row0 = wid * _ROWS_PER_W
    lane = lax.iota(jnp.int32, 16)
    zero = jnp.zeros((16,), jnp.float32)

    bufs = [idx_a, idx_b]
    sems = [sem_a, sem_b]

    def start(c, b):
        pltpu.async_copy(
            idx_hbm.at[pl.ds(row0 + c * _CHUNK, _CHUNK)],
            bufs[b], sems[b])

    def compute_chunk(c, buf):
        @plsc.parallel_loop(0, _GROUPS)
        def _group(g):

            @plsc.parallel_loop(0, 8, carry=zero)
            def res(rp, res):
                r0 = g * 16 + rp * 2
                r1 = r0 + 1

                @plsc.parallel_loop(0, _N // 64, unroll=8,
                                    carry=(zero, zero, zero, zero))
                def _accs(jj, accs):
                    a0, a1, b0, b1 = accs
                    base = jj * 64
                    v0 = buf[r0, pl.ds(base, 16)]
                    v1 = buf[r0, pl.ds(base + 16, 16)]
                    v2 = buf[r0, pl.ds(base + 32, 16)]
                    v3 = buf[r0, pl.ds(base + 48, 16)]
                    u0 = buf[r1, pl.ds(base, 16)]
                    u1 = buf[r1, pl.ds(base + 16, 16)]
                    u2 = buf[r1, pl.ds(base + 32, 16)]
                    u3 = buf[r1, pl.ds(base + 48, 16)]
                    a0 = a0 + plsc.load_gather(tbl_v, [v0 + (v1 << 8)])
                    a1 = a1 + plsc.load_gather(tbl_v, [v2 + (v3 << 8)])
                    b0 = b0 + plsc.load_gather(tbl_v, [u0 + (u1 << 8)])
                    b1 = b1 + plsc.load_gather(tbl_v, [u2 + (u3 << 8)])
                    return a0, a1, b0, b1

                a0, a1, b0, b1 = _accs
                inv_n = jnp.float32(1.0 / _N)
                tot0 = jnp.sum((a0 + a1) * inv_n)
                tot1 = jnp.sum((b0 + b1) * inv_n)
                res = jnp.where(lane == rp * 2, tot0, res)
                return jnp.where(lane == rp * 2 + 1, tot1, res)

            out_v[pl.ds(c * _CHUNK + g * 16, 16)] = res

    def wait(c, b):
        pltpu.make_async_copy(
            idx_hbm.at[pl.ds(row0 + c * _CHUNK, _CHUNK)],
            bufs[b], sems[b]).wait()

    start(0, 0)
    pltpu.sync_copy(tbl_hbm, tbl_v)

    @pl.loop(0, _NCHUNK, step=2)
    def _chunks(c):
        wait(c, 0)
        start(c + 1, 1)
        compute_chunk(c, bufs[0])
        wait(c + 1, 1)

        @pl.when(c + 2 < _NCHUNK)
        def _():
            start(c + 2, 0)

        compute_chunk(c + 1, bufs[1])

    pltpu.sync_copy(out_v, out_hbm.at[pl.ds(row0, _ROWS_PER_W)])


@jax.jit
def kernel(atomic_number, W):
    w = W.reshape(-1).astype(jnp.float32)
    wpad = jnp.zeros((256,), jnp.float32).at[:_MAX_ELEM].set(w)
    tbl = (w[:, None] + wpad[None, :]).reshape(-1)

    mesh = plsc.VectorSubcoreMesh(core_axis_name="c", subcore_axis_name="s")
    run = functools.partial(
        pl.kernel,
        mesh=mesh,
        out_type=jax.ShapeDtypeStruct((_B,), jnp.float32),
        scratch_types=[
            pltpu.VMEM((_CHUNK, _N), jnp.int32),
            pltpu.VMEM((_CHUNK, _N), jnp.int32),
            pltpu.VMEM((_TBL,), jnp.float32),
            pltpu.VMEM((_ROWS_PER_W,), jnp.float32),
            pltpu.SemaphoreType.DMA,
            pltpu.SemaphoreType.DMA,
        ],
        compiler_params=pltpu.CompilerParams(
            needs_layout_passes=False, use_tc_tiling_on_sc=True),
    )(_body)
    return run(atomic_number, tbl)

# --- scband reference (transcript-rebuilt; emitter-appended) ---
"""Pipeline reference for scband-atom-ref-18262200943422 (READ-ONLY COPY).

The authoritative reference and input builder live on the scoring server;
editing this copy changes nothing except your own understanding.
"""

import jax, jax.numpy as jnp
import numpy as np

B = 16384
N_ATOMS = 512
MAX_ELEM = 94


def setup_inputs(seed: int = 0) -> dict:
    key = jax.random.key(seed)
    k1, k2 = jax.random.split(key)
    # values are (atomic_number - 1), i.e. already zero-based element indices in [0, 94)
    atomic_number = jax.random.randint(k1, (B, N_ATOMS), 0, MAX_ELEM, dtype=jnp.int32)
    # fc: nn.Linear(max_num_elements, 1, bias=False) -> weight shape [1, 94]
    W = jax.random.normal(k2, (1, MAX_ELEM), dtype=jnp.float32) * 0.1
    return {"atomic_number": atomic_number, "W": W}


def reference(atomic_number, W):
    # _assemble_graphs: per-graph composition histogram via bincount over element indices,
    # implemented as a batched scatter-add (SparseCore-friendly).
    b, n = atomic_number.shape
    rows = jnp.broadcast_to(jnp.arange(b, dtype=jnp.int32)[:, None], (b, n)).reshape(-1)
    cols = atomic_number.reshape(-1)
    comp = jnp.zeros((b, MAX_ELEM), dtype=jnp.float32).at[rows, cols].add(1.0)
    # is_intensive=True: normalize by number of atoms per graph
    comp = comp / jnp.float32(n)
    # _get_energy: fc(composition_feas).view(-1)
    energy = comp @ W.T
    return energy.reshape(-1)

if __name__ == "__main__":
    import jax
    _d = setup_inputs()
    print(jax.jit(kernel)(*tuple(_d.values())))

</pallas_src>

<mosaic_0001>
#map = affine_map<(d0, d1) -> (0, 0)>
#map1 = affine_map<(d0, d1) -> (0)>
module attributes {stable_mosaic.version = 14 : i64} {
  func.func @_body(%arg0: i32, %arg1: i32, %arg2: memref<16384x512xi32, #tpu.memory_space<hbm>>, %arg3: memref<24064xf32, #tpu.memory_space<hbm>>, %arg4: memref<16384xf32, #tpu.memory_space<hbm>>, %arg5: memref<64x512xi32, #tpu.memory_space<vmem>>, %arg6: memref<64x512xi32, #tpu.memory_space<vmem>>, %arg7: memref<24064xf32, #tpu.memory_space<vmem>>, %arg8: memref<512xf32, #tpu.memory_space<vmem>>, %arg9: memref<!tpu.dma_semaphore, #tpu.memory_space<semaphore_mem>>, %arg10: memref<!tpu.dma_semaphore, #tpu.memory_space<semaphore_mem>>) attributes {dimension_semantics = [#tpu.dimension_semantics<core_parallel>, #tpu.dimension_semantics<subcore_parallel>], iteration_bounds = array<i64: 2, 16>, scalar_prefetch = 0 : i64, scratch_operands = 6 : i64, tpu.core_type = #tpu.core_type<sc_vector_subcore>, window_params = [{transform_indices = #map}, {transform_indices = #map1}, {transform_indices = #map1}]} {
    %mul3A = arith.constant 2 : i32
    %mul3A_0 = arith.muli %arg1, %mul3A : i32
    %add3A = arith.addi %mul3A_0, %arg0 : i32
    %mul3A_1 = arith.constant 512 : i32
    %mul3A_2 = arith.muli %add3A, %mul3A_1 : i32
    %iota3A = tpu.iota {dimensions = array<i32: 0>} : vector<16xi32>
    %broadcast_in_dim3A = arith.constant 0.000000e+00 : f32
    %broadcast_in_dim3A_3 = vector.broadcast %broadcast_in_dim3A : f32 to vector<16xf32>
    %add3A_4 = arith.constant 0 : i32
    %add3A_5 = arith.addi %mul3A_2, %add3A_4 : i32
    %dma_start3A = arith.constant 0 : i32
    %dma_start3A_6 = tpu.memref_slice %arg2[%add3A_5, %dma_start3A] : memref<16384x512xi32, #tpu.memory_space<hbm>> -> memref<64x512xi32, #tpu.memory_space<hbm>>
    %dma_start3A_7 = arith.constant 0 : i32
    %dma_start3A_8 = tpu.memref_slice %arg2[%add3A_5, %dma_start3A_7] : memref<16384x512xi32, #tpu.memory_space<hbm>> -> memref<64x512xi32, #tpu.memory_space<hbm>>
    tpu.enqueue_dma source(%dma_start3A_8 : memref<64x512xi32, #tpu.memory_space<hbm>>) target(%arg5 : memref<64x512xi32, #tpu.memory_space<vmem>>) target_semaphore(%arg9 : memref<!tpu.dma_semaphore, #tpu.memory_space<semaphore_mem>>)
    "tpu.region"() ({
      %run_scoped3A = tpu.sem_alloc : memref<!tpu.dma_semaphore, #tpu.memory_space<semaphore_mem>>
      tpu.enqueue_dma source(%arg3 : memref<24064xf32, #tpu.memory_space<hbm>>) target(%arg7 : memref<24064xf32, #tpu.memory_space<vmem>>) target_semaphore(%run_scoped3A : memref<!tpu.dma_semaphore, #tpu.memory_space<semaphore_mem>>)
      tpu.wait_dma2 semaphore(%run_scoped3A : memref<!tpu.dma_semaphore, #tpu.memory_space<semaphore_mem>>) src(%arg3 : memref<24064xf32, #tpu.memory_space<hbm>>) dst(%arg7 : memref<24064xf32, #tpu.memory_space<vmem>>)
      tpu.yield
    }) : () -> ()
    %scan3A = arith.constant 0 : i32
    %scan3A_9 = arith.constant 4 : i32
    %scan3A_10 = arith.addi %scan3A, %scan3A_9 : i32
    %scan3A_11 = arith.constant 1 : i32
    scf.for %scan3A_13 = %scan3A to %scan3A_10 step %scan3A_11  : i32 {
      %mul3A_14 = arith.constant 2 : i32
      %mul3A_15 = arith.muli %scan3A_13, %mul3A_14 : i32
      %add3A_16 = arith.constant 0 : i32
      %add3A_17 = arith.addi %add3A_16, %mul3A_15 : i32
      %mul3A_18 = arith.constant 64 : i32
      %mul3A_19 = arith.muli %add3A_17, %mul3A_18 : i32
      %add3A_20 = arith.addi %mul3A_2, %mul3A_19 : i32
      %dma_wait3A = arith.constant 0 : i32
      %dma_wait3A_21 = tpu.memref_slice %arg2[%add3A_20, %dma_wait3A] : memref<16384x512xi32, #tpu.memory_space<hbm>> -> memref<64x512xi32, #tpu.memory_space<hbm>>
      %dma_wait3A_22 = arith.constant 0 : i32
      %dma_wait3A_23 = tpu.memref_slice %arg2[%add3A_20, %dma_wait3A_22] : memref<16384x512xi32, #tpu.memory_space<hbm>> -> memref<64x512xi32, #tpu.memory_space<hbm>>
      tpu.wait_dma2 semaphore(%arg9 : memref<!tpu.dma_semaphore, #tpu.memory_space<semaphore_mem>>) src(%dma_wait3A_23 : memref<64x512xi32, #tpu.memory_space<hbm>>) dst(%arg5 : memref<64x512xi32, #tpu.memory_space<vmem>>)
      %add3A_24 = arith.constant 1 : i32
      %add3A_25 = arith.addi %add3A_17, %add3A_24 : i32
      %mul3A_26 = arith.constant 64 : i32
      %mul3A_27 = arith.muli %add3A_25, %mul3A_26 : i32
      %add3A_28 = arith.addi %mul3A_2, %mul3A_27 : i32
      %dma_start3A_29 = arith.constant 0 : i32
      %dma_start3A_30 = tpu.memref_slice %arg2[%add3A_28, %dma_start3A_29] : memref<16384x512xi32, #tpu.memory_space<hbm>> -> memref<64x512xi32, #tpu.memory_space<hbm>>
      %dma_start3A_31 = arith.constant 0 : i32
      %dma_start3A_32 = tpu.memref_slice %arg2[%add3A_28, %dma_start3A_31] : memref<16384x512xi32, #tpu.memory_space<hbm>> -> memref<64x512xi32, #tpu.memory_space<hbm>>
      tpu.enqueue_dma source(%dma_start3A_32 : memref<64x512xi32, #tpu.memory_space<hbm>>) target(%arg6 : memref<64x512xi32, #tpu.memory_space<vmem>>) target_semaphore(%arg10 : memref<!tpu.dma_semaphore, #tpu.memory_space<semaphore_mem>>)
      %parallel_loop3A = arith.constant 0 : i32
      %parallel_loop3A_33 = arith.constant 4 : i32
      %parallel_loop3A_34 = arith.constant 1 : i32
      scf.for %parallel_loop3A_53 = %parallel_loop3A to %parallel_loop3A_33 step %parallel_loop3A_34  : i32 {
        %parallel_loop3A_54 = arith.constant 0 : i32
        %parallel_loop3A_55 = arith.constant 8 : i32
        %parallel_loop3A_56 = arith.constant 1 : i32
        %parallel_loop3A_57 = scf.for %parallel_loop3A_65 = %parallel_loop3A_54 to %parallel_loop3A_55 step %parallel_loop3A_56 iter_args(%parallel_loop3A_66 = %broadcast_in_dim3A_3) -> (vector<16xf32>)  : i32 {
          %parallel_loop3A_67 = arith.constant 16 : i32
          %parallel_loop3A_68 = arith.muli %parallel_loop3A_53, %parallel_loop3A_67 : i32
          %parallel_loop3A_69 = arith.constant 2 : i32
          %parallel_loop3A_70 = arith.muli %parallel_loop3A_65, %parallel_loop3A_69 : i32
          %parallel_loop3A_71 = arith.addi %parallel_loop3A_68, %parallel_loop3A_70 : i32
          %parallel_loop3A_72 = arith.constant 1 : i32
          %parallel_loop3A_73 = arith.addi %parallel_loop3A_71, %parallel_loop3A_72 : i32
          %parallel_loop3A_74 = arith.constant 0 : i32
          %parallel_loop3A_75 = arith.constant 8 : i32
          %parallel_loop3A_76 = arith.constant 1 : i32
          %parallel_loop3A_77:4 = scf.for %parallel_loop3A_108 = %parallel_loop3A_74 to %parallel_loop3A_75 step %parallel_loop3A_76 iter_args(%parallel_loop3A_109 = %broadcast_in_dim3A_3, %parallel_loop3A_110 = %broadcast_in_dim3A_3, %parallel_loop3A_111 = %broadcast_in_dim3A_3, %parallel_loop3A_112 = %broadcast_in_dim3A_3) -> (vector<16xf32>, vector<16xf32>, vector<16xf32>, vector<16xf32>)  : i32 {
            %parallel_loop3A_113 = arith.constant 64 : i32
            %parallel_loop3A_114 = arith.muli %parallel_loop3A_108, %parallel_loop3A_113 : i32
            %parallel_loop3A_115 = arith.index_cast %parallel_loop3A_71 : i32 to index
            %parallel_loop3A_116 = arith.index_cast %parallel_loop3A_114 : i32 to index
            %parallel_loop3A_117 = tpu.vector_load %arg5[%parallel_loop3A_115, %parallel_loop3A_116] {strides = array<i32>} : memref<64x512xi32, #tpu.memory_space<vmem>>, vector<16xi32>,
            %parallel_loop3A_118 = arith.constant 16 : i32
            %parallel_loop3A_119 = arith.addi %parallel_loop3A_114, %parallel_loop3A_118 : i32
            %parallel_loop3A_120 = arith.index_cast %parallel_loop3A_71 : i32 to index
            %parallel_loop3A_121 = arith.index_cast %parallel_loop3A_119 : i32 to index
            %parallel_loop3A_122 = tpu.vector_load %arg5[%parallel_loop3A_120, %parallel_loop3A_121] {strides = array<i32>} : memref<64x512xi32, #tpu.memory_space<vmem>>, vector<16xi32>,
            %parallel_loop3A_123 = arith.constant 32 : i32
            %parallel_loop3A_124 = arith.addi %parallel_loop3A_114, %parallel_loop3A_123 : i32
            %parallel_loop3A_125 = arith.index_cast %parallel_loop3A_71 : i32 to index
            %parallel_loop3A_126 = arith.index_cast %parallel_loop3A_124 : i32 to index
            %parallel_loop3A_127 = tpu.vector_load %arg5[%parallel_loop3A_125, %parallel_loop3A_126] {strides = array<i32>} : memref<64x512xi32, #tpu.memory_space<vmem>>, vector<16xi32>,
            %parallel_loop3A_128 = arith.constant 48 : i32
            %parallel_loop3A_129 = arith.addi %parallel_loop3A_114, %parallel_loop3A_128 : i32
            %parallel_loop3A_130 = arith.index_cast %parallel_loop3A_71 : i32 to index
            %parallel_loop3A_131 = arith.index_cast %parallel_loop3A_129 : i32 to index
            %parallel_loop3A_132 = tpu.vector_load %arg5[%parallel_loop3A_130, %parallel_loop3A_131] {strides = array<i32>} : memref<64x512xi32, #tpu.memory_space<vmem>>, vector<16xi32>,
            %parallel_loop3A_133 = arith.index_cast %parallel_loop3A_73 : i32 to index
            %parallel_loop3A_134 = arith.index_cast %parallel_loop3A_114 : i32 to index
            %parallel_loop3A_135 = tpu.vector_load %arg5[%parallel_loop3A_133, %parallel_loop3A_134] {strides = array<i32>} : memref<64x512xi32, #tpu.memory_space<vmem>>, vector<16xi32>,
            %parallel_loop3A_136 = arith.constant 16 : i32
            %parallel_loop3A_137 = arith.addi %parallel_loop3A_114, %parallel_loop3A_136 : i32
            %parallel_loop3A_138 = arith.index_cast %parallel_loop3A_73 : i32 to index
            %parallel_loop3A_139 = arith.index_cast %parallel_loop3A_137 : i32 to index
            %parallel_loop3A_140 = tpu.vector_load %arg5[%parallel_loop3A_138, %parallel_loop3A_139] {strides = array<i32>} : memref<64x512xi32, #tpu.memory_space<vmem>>, vector<16xi32>,
            %parallel_loop3A_141 = arith.constant 32 : i32
            %parallel_loop3A_142 = arith.addi %parallel_loop3A_114, %parallel_loop3A_141 : i32
            %parallel_loop3A_143 = arith.index_cast %parallel_loop3A_73 : i32 to index
            %parallel_loop3A_144 = arith.index_cast %parallel_loop3A_142 : i32 to index
            %parallel_loop3A_145 = tpu.vector_load %arg5[%parallel_loop3A_143, %parallel_loop3A_144] {strides = array<i32>} : memref<64x512xi32, #tpu.memory_space<vmem>>, vector<16xi32>,
            %parallel_loop3A_146 = arith.constant 48 : i32
            %parallel_loop3A_147 = arith.addi %parallel_loop3A_114, %parallel_loop3A_146 : i32
            %parallel_loop3A_148 = arith.index_cast %parallel_loop3A_73 : i32 to index
            %parallel_loop3A_149 = arith.index_cast %parallel_loop3A_147 : i32 to index
            %parallel_loop3A_150 = tpu.vector_load %arg5[%parallel_loop3A_148, %parallel_loop3A_149] {strides = array<i32>} : memref<64x512xi32, #tpu.memory_space<vmem>>, vector<16xi32>,
            %parallel_loop3A_151 = arith.constant 8 : i32
            %parallel_loop3A_152 = vector.broadcast %parallel_loop3A_151 : i32 to vector<16xi32>
            %parallel_loop3A_153 = arith.shli %parallel_loop3A_122, %parallel_loop3A_152 : vector<16xi32>
            %parallel_loop3A_154 = arith.addi %parallel_loop3A_117, %parallel_loop3A_153 : vector<16xi32>
            %parallel_loop3A_155 = tpu.vector_load_idx %arg7[%parallel_loop3A_154] : memref<24064xf32, #tpu.memory_space<vmem>>[vector<16xi32>], vector<16xf32>,
            %parallel_loop3A_156 = arith.addf %parallel_loop3A_109, %parallel_loop3A_155 : vector<16xf32>
            %parallel_loop3A_157 = arith.constant 8 : i32
            %parallel_loop3A_158 = vector.broadcast %parallel_loop3A_157 : i32 to vector<16xi32>
            %parallel_loop3A_159 = arith.shli %parallel_loop3A_132, %parallel_loop3A_158 : vector<16xi32>
            %parallel_loop3A_160 = arith.addi %parallel_loop3A_127, %parallel_loop3A_159 : vector<16xi32>
            %parallel_loop3A_161 = tpu.vector_load_idx %arg7[%parallel_loop3A_160] : memref<24064xf32, #tpu.memory_space<vmem>>[vector<16xi32>], vector<16xf32>,
            %parallel_loop3A_162 = arith.addf %parallel_loop3A_110, %parallel_loop3A_161 : vector<16xf32>
            %parallel_loop3A_163 = arith.constant 8 : i32
            %parallel_loop3A_164 = vector.broadcast %parallel_loop3A_163 : i32 to vector<16xi32>
            %parallel_loop3A_165 = arith.shli %parallel_loop3A_140, %parallel_loop3A_164 : vector<16xi32>
            %parallel_loop3A_166 = arith.addi %parallel_loop3A_135, %parallel_loop3A_165 : vector<16xi32>
            %parallel_loop3A_167 = tpu.vector_load_idx %arg7[%parallel_loop3A_166] : memref<24064xf32, #tpu.memory_space<vmem>>[vector<16xi32>], vector<16xf32>,
            %parallel_loop3A_168 = arith.addf %parallel_loop3A_111, %parallel_loop3A_167 : vector<16xf32>
            %parallel_loop3A_169 = arith.constant 8 : i32
            %parallel_loop3A_170 = vector.broadcast %parallel_loop3A_169 : i32 to vector<16xi32>
            %parallel_loop3A_171 = arith.shli %parallel_loop3A_150, %parallel_loop3A_170 : vector<16xi32>
            %parallel_loop3A_172 = arith.addi %parallel_loop3A_145, %parallel_loop3A_171 : vector<16xi32>
            %parallel_loop3A_173 = tpu.vector_load_idx %arg7[%parallel_loop3A_172] : memref<24064xf32, #tpu.memory_space<vmem>>[vector<16xi32>], vector<16xf32>,
            %parallel_loop3A_174 = arith.addf %parallel_loop3A_112, %parallel_loop3A_173 : vector<16xf32>
            scf.yield %parallel_loop3A_156, %parallel_loop3A_162, %parallel_loop3A_168, %parallel_loop3A_174 : vector<16xf32>, vector<16xf32>, vector<16xf32>, vector<16xf32>
          } {sc.loop_unroll_factor = 8 : i64, sc.parallel_access}
          %parallel_loop3A_78 = arith.addf %parallel_loop3A_77#0, %parallel_loop3A_77#1 : vector<16xf32>
          %parallel_loop3A_79 = arith.constant 0.001953125 : f32
          %parallel_loop3A_80 = vector.broadcast %parallel_loop3A_79 : f32 to vector<16xf32>
          %parallel_loop3A_81 = arith.mulf %parallel_loop3A_78, %parallel_loop3A_80 : vector<16xf32>
          %parallel_loop3A_82 = arith.constant true
          %parallel_loop3A_83 = vector.broadcast %parallel_loop3A_82 : i1 to vector<16xi1>
          %parallel_loop3A_84 = tpu.scan <sum>, %parallel_loop3A_81 masked %parallel_loop3A_83 : vector<16xf32>, vector<16xi1> -> vector<16xf32>
          %parallel_loop3A_85 = vector.extract %parallel_loop3A_84[15] : f32 from vector<16xf32>
          %parallel_loop3A_86 = arith.addf %parallel_loop3A_77#2, %parallel_loop3A_77#3 : vector<16xf32>
          %parallel_loop3A_87 = arith.constant 0.001953125 : f32
          %parallel_loop3A_88 = vector.broadcast %parallel_loop3A_87 : f32 to vector<16xf32>
          %parallel_loop3A_89 = arith.mulf %parallel_loop3A_86, %parallel_loop3A_88 : vector<16xf32>
          %parallel_loop3A_90 = arith.constant true
          %parallel_loop3A_91 = vector.broadcast %parallel_loop3A_90 : i1 to vector<16xi1>
          %parallel_loop3A_92 = tpu.scan <sum>, %parallel_loop3A_89 masked %parallel_loop3A_91 : vector<16xf32>, vector<16xi1> -> vector<16xf32>
          %parallel_loop3A_93 = vector.extract %parallel_loop3A_92[15] : f32 from vector<16xf32>
          %parallel_loop3A_94 = arith.constant 2 : i32
          %parallel_loop3A_95 = arith.muli %parallel_loop3A_65, %parallel_loop3A_94 : i32
          %parallel_loop3A_96 = vector.broadcast %parallel_loop3A_95 : i32 to vector<16xi32>
          %parallel_loop3A_97 = arith.cmpi eq, %iota3A, %parallel_loop3A_96 : vector<16xi32>
          %parallel_loop3A_98 = vector.broadcast %parallel_loop3A_85 : f32 to vector<16xf32>
          %parallel_loop3A_99 = arith.select %parallel_loop3A_97, %parallel_loop3A_98, %parallel_loop3A_66 : vector<16xi1>, vector<16xf32>
          %parallel_loop3A_100 = arith.constant 2 : i32
          %parallel_loop3A_101 = arith.muli %parallel_loop3A_65, %parallel_loop3A_100 : i32
          %parallel_loop3A_102 = arith.constant 1 : i32
          %parallel_loop3A_103 = arith.addi %parallel_loop3A_101, %parallel_loop3A_102 : i32
          %parallel_loop3A_104 = vector.broadcast %parallel_loop3A_103 : i32 to vector<16xi32>
          %parallel_loop3A_105 = arith.cmpi eq, %iota3A, %parallel_loop3A_104 : vector<16xi32>
          %parallel_loop3A_106 = vector.broadcast %parallel_loop3A_93 : f32 to vector<16xf32>
          %parallel_loop3A_107 = arith.select %parallel_loop3A_105, %parallel_loop3A_106, %parallel_loop3A_99 : vector<16xi1>, vector<16xf32>
          scf.yield %parallel_loop3A_107 : vector<16xf32>
        } {sc.loop_unroll_factor = 1 : i64, sc.parallel_access}
        %parallel_loop3A_58 = arith.constant 64 : i32
        %parallel_loop3A_59 = arith.muli %add3A_17, %parallel_loop3A_58 : i32
        %parallel_loop3A_60 = arith.constant 16 : i32
        %parallel_loop3A_61 = arith.muli %parallel_loop3A_53, %parallel_loop3A_60 : i32
        %parallel_loop3A_62 = arith.addi %parallel_loop3A_59, %parallel_loop3A_61 : i32
        %parallel_loop3A_63 = arith.index_cast %parallel_loop3A_62 : i32 to index
        %parallel_loop3A_64 = tpu.vector_load %arg8[%parallel_loop3A_63] {strides = array<i32>} : memref<512xf32, #tpu.memory_space<vmem>>, vector<16xf32>,
        tpu.vector_store %arg8[%parallel_loop3A_63], %parallel_loop3A_57 {strides = array<i32>} : memref<512xf32, #tpu.memory_space<vmem>>, vector<16xf32>,
      } {sc.loop_unroll_factor = 1 : i64, sc.parallel_access}
      %add3A_35 = arith.constant 1 : i32
      %add3A_36 = arith.addi %add3A_17, %add3A_35 : i32
      %mul3A_37 = arith.constant 64 : i32
      %mul3A_38 = arith.muli %add3A_36, %mul3A_37 : i32
      %add3A_39 = arith.addi %mul3A_2, %mul3A_38 : i32
      %dma_wait3A_40 = arith.constant 0 : i32
      %dma_wait3A_41 = tpu.memref_slice %arg2[%add3A_39, %dma_wait3A_40] : memref<16384x512xi32, #tpu.memory_space<hbm>> -> memref<64x512xi32, #tpu.memory_space<hbm>>
      %dma_wait3A_42 = arith.constant 0 : i32
      %dma_wait3A_43 = tpu.memref_slice %arg2[%add3A_39, %dma_wait3A_42] : memref<16384x512xi32, #tpu.memory_space<hbm>> -> memref<64x512xi32, #tpu.memory_space<hbm>>
      tpu.wait_dma2 semaphore(%arg10 : memref<!tpu.dma_semaphore, #tpu.memory_space<semaphore_mem>>) src(%dma_wait3A_43 : memref<64x512xi32, #tpu.memory_space<hbm>>) dst(%arg6 : memref<64x512xi32, #tpu.memory_space<vmem>>)
      %add3A_44 = arith.constant 2 : i32
      %add3A_45 = arith.addi %add3A_17, %add3A_44 : i32
      %lt3A = arith.constant 8 : i32
      %lt3A_46 = arith.cmpi slt, %add3A_45, %lt3A : i32
      %convert_element_type3A = arith.extui %lt3A_46 : i1 to i32
      %cond3A = arith.constant 0 : i32
      %cond3A_47 = arith.cmpi ne, %convert_element_type3A, %cond3A : i32
      scf.if %cond3A_47 {
        %add3A_53 = arith.constant 2 : i32
        %add3A_54 = arith.addi %add3A_17, %add3A_53 : i32
        %mul3A_55 = arith.constant 64 : i32
        %mul3A_56 = arith.muli %add3A_54, %mul3A_55 : i32
        %add3A_57 = arith.addi %mul3A_2, %mul3A_56 : i32
        %dma_start3A_58 = arith.constant 0 : i32
        %dma_start3A_59 = tpu.memref_slice %arg2[%add3A_57, %dma_start3A_58] : memref<16384x512xi32, #tpu.memory_space<hbm>> -> memref<64x512xi32, #tpu.memory_space<hbm>>
        %dma_start3A_60 = arith.constant 0 : i32
        %dma_start3A_61 = tpu.memref_slice %arg2[%add3A_57, %dma_start3A_60] : memref<16384x512xi32, #tpu.memory_space<hbm>> -> memref<64x512xi32, #tpu.memory_space<hbm>>
        tpu.enqueue_dma source(%dma_start3A_61 : memref<64x512xi32, #tpu.memory_space<hbm>>) target(%arg5 : memref<64x512xi32, #tpu.memory_space<vmem>>) target_semaphore(%arg9 : memref<!tpu.dma_semaphore, #tpu.memory_space<semaphore_mem>>)
      } else {
      }
      %add3A_48 = arith.constant 1 : i32
      %add3A_49 = arith.addi %add3A_17, %add3A_48 : i32
      %parallel_loop3A_50 = arith.constant 0 : i32
      %parallel_loop3A_51 = arith.constant 4 : i32
      %parallel_loop3A_52 = arith.constant 1 : i32
      scf.for %parallel_loop3A_53 = %parallel_loop3A_50 to %parallel_loop3A_51 step %parallel_loop3A_52  : i32 {
        %parallel_loop3A_54 = arith.constant 0 : i32
        %parallel_loop3A_55 = arith.constant 8 : i32
        %parallel_loop3A_56 = arith.constant 1 : i32
        %parallel_loop3A_57 = scf.for %parallel_loop3A_65 = %parallel_loop3A_54 to %parallel_loop3A_55 step %parallel_loop3A_56 iter_args(%parallel_loop3A_66 = %broadcast_in_dim3A_3) -> (vector<16xf32>)  : i32 {
          %parallel_loop3A_67 = arith.constant 16 : i32
          %parallel_loop3A_68 = arith.muli %parallel_loop3A_53, %parallel_loop3A_67 : i32
          %parallel_loop3A_69 = arith.constant 2 : i32
          %parallel_loop3A_70 = arith.muli %parallel_loop3A_65, %parallel_loop3A_69 : i32
          %parallel_loop3A_71 = arith.addi %parallel_loop3A_68, %parallel_loop3A_70 : i32
          %parallel_loop3A_72 = arith.constant 1 : i32
          %parallel_loop3A_73 = arith.addi %parallel_loop3A_71, %parallel_loop3A_72 : i32
          %parallel_loop3A_74 = arith.constant 0 : i32
          %parallel_loop3A_75 = arith.constant 8 : i32
          %parallel_loop3A_76 = arith.constant 1 : i32
          %parallel_loop3A_77:4 = scf.for %parallel_loop3A_108 = %parallel_loop3A_74 to %parallel_loop3A_75 step %parallel_loop3A_76 iter_args(%parallel_loop3A_109 = %broadcast_in_dim3A_3, %parallel_loop3A_110 = %broadcast_in_dim3A_3, %parallel_loop3A_111 = %broadcast_in_dim3A_3, %parallel_loop3A_112 = %broadcast_in_dim3A_3) -> (vector<16xf32>, vector<16xf32>, vector<16xf32>, vector<16xf32>)  : i32 {
            %parallel_loop3A_113 = arith.constant 64 : i32
            %parallel_loop3A_114 = arith.muli %parallel_loop3A_108, %parallel_loop3A_113 : i32
            %parallel_loop3A_115 = arith.index_cast %parallel_loop3A_71 : i32 to index
            %parallel_loop3A_116 = arith.index_cast %parallel_loop3A_114 : i32 to index
            %parallel_loop3A_117 = tpu.vector_load %arg6[%parallel_loop3A_115, %parallel_loop3A_116] {strides = array<i32>} : memref<64x512xi32, #tpu.memory_space<vmem>>, vector<16xi32>,
            %parallel_loop3A_118 = arith.constant 16 : i32
            %parallel_loop3A_119 = arith.addi %parallel_loop3A_114, %parallel_loop3A_118 : i32
            %parallel_loop3A_120 = arith.index_cast %parallel_loop3A_71 : i32 to index
            %parallel_loop3A_121 = arith.index_cast %parallel_loop3A_119 : i32 to index
            %parallel_loop3A_122 = tpu.vector_load %arg6[%parallel_loop3A_120, %parallel_loop3A_121] {strides = array<i32>} : memref<64x512xi32, #tpu.memory_space<vmem>>, vector<16xi32>,
            %parallel_loop3A_123 = arith.constant 32 : i32
            %parallel_loop3A_124 = arith.addi %parallel_loop3A_114, %parallel_loop3A_123 : i32
            %parallel_loop3A_125 = arith.index_cast %parallel_loop3A_71 : i32 to index
            %parallel_loop3A_126 = arith.index_cast %parallel_loop3A_124 : i32 to index
            %parallel_loop3A_127 = tpu.vector_load %arg6[%parallel_loop3A_125, %parallel_loop3A_126] {strides = array<i32>} : memref<64x512xi32, #tpu.memory_space<vmem>>, vector<16xi32>,
            %parallel_loop3A_128 = arith.constant 48 : i32
            %parallel_loop3A_129 = arith.addi %parallel_loop3A_114, %parallel_loop3A_128 : i32
            %parallel_loop3A_130 = arith.index_cast %parallel_loop3A_71 : i32 to index
            %parallel_loop3A_131 = arith.index_cast %parallel_loop3A_129 : i32 to index
            %parallel_loop3A_132 = tpu.vector_load %arg6[%parallel_loop3A_130, %parallel_loop3A_131] {strides = array<i32>} : memref<64x512xi32, #tpu.memory_space<vmem>>, vector<16xi32>,
            %parallel_loop3A_133 = arith.index_cast %parallel_loop3A_73 : i32 to index
            %parallel_loop3A_134 = arith.index_cast %parallel_loop3A_114 : i32 to index
            %parallel_loop3A_135 = tpu.vector_load %arg6[%parallel_loop3A_133, %parallel_loop3A_134] {strides = array<i32>} : memref<64x512xi32, #tpu.memory_space<vmem>>, vector<16xi32>,
            %parallel_loop3A_136 = arith.constant 16 : i32
            %parallel_loop3A_137 = arith.addi %parallel_loop3A_114, %parallel_loop3A_136 : i32
            %parallel_loop3A_138 = arith.index_cast %parallel_loop3A_73 : i32 to index
            %parallel_loop3A_139 = arith.index_cast %parallel_loop3A_137 : i32 to index
            %parallel_loop3A_140 = tpu.vector_load %arg6[%parallel_loop3A_138, %parallel_loop3A_139] {strides = array<i32>} : memref<64x512xi32, #tpu.memory_space<vmem>>, vector<16xi32>,
            %parallel_loop3A_141 = arith.constant 32 : i32
            %parallel_loop3A_142 = arith.addi %parallel_loop3A_114, %parallel_loop3A_141 : i32
            %parallel_loop3A_143 = arith.index_cast %parallel_loop3A_73 : i32 to index
            %parallel_loop3A_144 = arith.index_cast %parallel_loop3A_142 : i32 to index
            %parallel_loop3A_145 = tpu.vector_load %arg6[%parallel_loop3A_143, %parallel_loop3A_144] {strides = array<i32>} : memref<64x512xi32, #tpu.memory_space<vmem>>, vector<16xi32>,
            %parallel_loop3A_146 = arith.constant 48 : i32
            %parallel_loop3A_147 = arith.addi %parallel_loop3A_114, %parallel_loop3A_146 : i32
            %parallel_loop3A_148 = arith.index_cast %parallel_loop3A_73 : i32 to index
            %parallel_loop3A_149 = arith.index_cast %parallel_loop3A_147 : i32 to index
            %parallel_loop3A_150 = tpu.vector_load %arg6[%parallel_loop3A_148, %parallel_loop3A_149] {strides = array<i32>} : memref<64x512xi32, #tpu.memory_space<vmem>>, vector<16xi32>,
            %parallel_loop3A_151 = arith.constant 8 : i32
            %parallel_loop3A_152 = vector.broadcast %parallel_loop3A_151 : i32 to vector<16xi32>
            %parallel_loop3A_153 = arith.shli %parallel_loop3A_122, %parallel_loop3A_152 : vector<16xi32>
            %parallel_loop3A_154 = arith.addi %parallel_loop3A_117, %parallel_loop3A_153 : vector<16xi32>
            %parallel_loop3A_155 = tpu.vector_load_idx %arg7[%parallel_loop3A_154] : memref<24064xf32, #tpu.memory_space<vmem>>[vector<16xi32>], vector<16xf32>,
            %parallel_loop3A_156 = arith.addf %parallel_loop3A_109, %parallel_loop3A_155 : vector<16xf32>
            %parallel_loop3A_157 = arith.constant 8 : i32
            %parallel_loop3A_158 = vector.broadcast %parallel_loop3A_157 : i32 to vector<16xi32>
            %parallel_loop3A_159 = arith.shli %parallel_loop3A_132, %parallel_loop3A_158 : vector<16xi32>
            %parallel_loop3A_160 = arith.addi %parallel_loop3A_127, %parallel_loop3A_159 : vector<16xi32>
            %parallel_loop3A_161 = tpu.vector_load_idx %arg7[%parallel_loop3A_160] : memref<24064xf32, #tpu.memory_space<vmem>>[vector<16xi32>], vector<16xf32>,
            %parallel_loop3A_162 = arith.addf %parallel_loop3A_110, %parallel_loop3A_161 : vector<16xf32>
            %parallel_loop3A_163 = arith.constant 8 : i32
            %parallel_loop3A_164 = vector.broadcast %parallel_loop3A_163 : i32 to vector<16xi32>
            %parallel_loop3A_165 = arith.shli %parallel_loop3A_140, %parallel_loop3A_164 : vector<16xi32>
            %parallel_loop3A_166 = arith.addi %parallel_loop3A_135, %parallel_loop3A_165 : vector<16xi32>
            %parallel_loop3A_167 = tpu.vector_load_idx %arg7[%parallel_loop3A_166] : memref<24064xf32, #tpu.memory_space<vmem>>[vector<16xi32>], vector<16xf32>,
            %parallel_loop3A_168 = arith.addf %parallel_loop3A_111, %parallel_loop3A_167 : vector<16xf32>
            %parallel_loop3A_169 = arith.constant 8 : i32
            %parallel_loop3A_170 = vector.broadcast %parallel_loop3A_169 : i32 to vector<16xi32>
            %parallel_loop3A_171 = arith.shli %parallel_loop3A_150, %parallel_loop3A_170 : vector<16xi32>
            %parallel_loop3A_172 = arith.addi %parallel_loop3A_145, %parallel_loop3A_171 : vector<16xi32>
            %parallel_loop3A_173 = tpu.vector_load_idx %arg7[%parallel_loop3A_172] : memref<24064xf32, #tpu.memory_space<vmem>>[vector<16xi32>], vector<16xf32>,
            %parallel_loop3A_174 = arith.addf %parallel_loop3A_112, %parallel_loop3A_173 : vector<16xf32>
            scf.yield %parallel_loop3A_156, %parallel_loop3A_162, %parallel_loop3A_168, %parallel_loop3A_174 : vector<16xf32>, vector<16xf32>, vector<16xf32>, vector<16xf32>
          } {sc.loop_unroll_factor = 8 : i64, sc.parallel_access}
          %parallel_loop3A_78 = arith.addf %parallel_loop3A_77#0, %parallel_loop3A_77#1 : vector<16xf32>
          %parallel_loop3A_79 = arith.constant 0.001953125 : f32
          %parallel_loop3A_80 = vector.broadcast %parallel_loop3A_79 : f32 to vector<16xf32>
          %parallel_loop3A_81 = arith.mulf %parallel_loop3A_78, %parallel_loop3A_80 : vector<16xf32>
          %parallel_loop3A_82 = arith.constant true
          %parallel_loop3A_83 = vector.broadcast %parallel_loop3A_82 : i1 to vector<16xi1>
          %parallel_loop3A_84 = tpu.scan <sum>, %parallel_loop3A_81 masked %parallel_loop3A_83 : vector<16xf32>, vector<16xi1> -> vector<16xf32>
          %parallel_loop3A_85 = vector.extract %parallel_loop3A_84[15] : f32 from vector<16xf32>
          %parallel_loop3A_86 = arith.addf %parallel_loop3A_77#2, %parallel_loop3A_77#3 : vector<16xf32>
          %parallel_loop3A_87 = arith.constant 0.001953125 : f32
          %parallel_loop3A_88 = vector.broadcast %parallel_loop3A_87 : f32 to vector<16xf32>
          %parallel_loop3A_89 = arith.mulf %parallel_loop3A_86, %parallel_loop3A_88 : vector<16xf32>
          %parallel_loop3A_90 = arith.constant true
          %parallel_loop3A_91 = vector.broadcast %parallel_loop3A_90 : i1 to vector<16xi1>
          %parallel_loop3A_92 = tpu.scan <sum>, %parallel_loop3A_89 masked %parallel_loop3A_91 : vector<16xf32>, vector<16xi1> -> vector<16xf32>
          %parallel_loop3A_93 = vector.extract %parallel_loop3A_92[15] : f32 from vector<16xf32>
          %parallel_loop3A_94 = arith.constant 2 : i32
          %parallel_loop3A_95 = arith.muli %parallel_loop3A_65, %parallel_loop3A_94 : i32
          %parallel_loop3A_96 = vector.broadcast %parallel_loop3A_95 : i32 to vector<16xi32>
          %parallel_loop3A_97 = arith.cmpi eq, %iota3A, %parallel_loop3A_96 : vector<16xi32>
          %parallel_loop3A_98 = vector.broadcast %parallel_loop3A_85 : f32 to vector<16xf32>
          %parallel_loop3A_99 = arith.select %parallel_loop3A_97, %parallel_loop3A_98, %parallel_loop3A_66 : vector<16xi1>, vector<16xf32>
          %parallel_loop3A_100 = arith.constant 2 : i32
          %parallel_loop3A_101 = arith.muli %parallel_loop3A_65, %parallel_loop3A_100 : i32
          %parallel_loop3A_102 = arith.constant 1 : i32
          %parallel_loop3A_103 = arith.addi %parallel_loop3A_101, %parallel_loop3A_102 : i32
          %parallel_loop3A_104 = vector.broadcast %parallel_loop3A_103 : i32 to vector<16xi32>
          %parallel_loop3A_105 = arith.cmpi eq, %iota3A, %parallel_loop3A_104 : vector<16xi32>
          %parallel_loop3A_106 = vector.broadcast %parallel_loop3A_93 : f32 to vector<16xf32>
          %parallel_loop3A_107 = arith.select %parallel_loop3A_105, %parallel_loop3A_106, %parallel_loop3A_99 : vector<16xi1>, vector<16xf32>
          scf.yield %parallel_loop3A_107 : vector<16xf32>
        } {sc.loop_unroll_factor = 1 : i64, sc.parallel_access}
        %parallel_loop3A_58 = arith.constant 64 : i32
        %parallel_loop3A_59 = arith.muli %add3A_49, %parallel_loop3A_58 : i32
        %parallel_loop3A_60 = arith.constant 16 : i32
        %parallel_loop3A_61 = arith.muli %parallel_loop3A_53, %parallel_loop3A_60 : i32
        %parallel_loop3A_62 = arith.addi %parallel_loop3A_59, %parallel_loop3A_61 : i32
        %parallel_loop3A_63 = arith.index_cast %parallel_loop3A_62 : i32 to index
        %parallel_loop3A_64 = tpu.vector_load %arg8[%parallel_loop3A_63] {strides = array<i32>} : memref<512xf32, #tpu.memory_space<vmem>>, vector<16xf32>,
        tpu.vector_store %arg8[%parallel_loop3A_63], %parallel_loop3A_57 {strides = array<i32>} : memref<512xf32, #tpu.memory_space<vmem>>, vector<16xf32>,
      } {sc.loop_unroll_factor = 1 : i64, sc.parallel_access}
    }
    %scan3A_12 = arith.constant 4 : i32
    "tpu.region"() ({
      %run_scoped3A = tpu.sem_alloc : memref<!tpu.dma_semaphore, #tpu.memory_space<semaphore_mem>>
      %dma_start3A_13 = tpu.memref_slice %arg4[%mul3A_2] : memref<16384xf32, #tpu.memory_space<hbm>> -> memref<512xf32, #tpu.memory_space<hbm>>
      %dma_start3A_14 = tpu.memref_slice %arg4[%mul3A_2] : memref<16384xf32, #tpu.memory_space<hbm>> -> memref<512xf32, #tpu.memory_space<hbm>>
      tpu.enqueue_dma source(%arg8 : memref<512xf32, #tpu.memory_space<vmem>>) target(%dma_start3A_14 : memref<512xf32, #tpu.memory_space<hbm>>) target_semaphore(%run_scoped3A : memref<!tpu.dma_semaphore, #tpu.memory_space<semaphore_mem>>)
      %dma_wait3A = tpu.memref_slice %arg4[%mul3A_2] : memref<16384xf32, #tpu.memory_space<hbm>> -> memref<512xf32, #tpu.memory_space<hbm>>
      %dma_wait3A_15 = tpu.memref_slice %arg4[%mul3A_2] : memref<16384xf32, #tpu.memory_space<hbm>> -> memref<512xf32, #tpu.memory_space<hbm>>
      tpu.wait_dma2 semaphore(%run_scoped3A : memref<!tpu.dma_semaphore, #tpu.memory_space<semaphore_mem>>) src(%arg8 : memref<512xf32, #tpu.memory_space<vmem>>) dst(%dma_wait3A_15 : memref<512xf32, #tpu.memory_space<hbm>>)
      tpu.yield
    }) : () -> ()
    return
  }
}

</mosaic_0001>

<sc_bundles>
// kernel: kernel.3.cloned.1.call-start
scs
__scs_entry_jumppad:
0x0: {  	(pc) =	sbr.rel $0x88, $3  }
0x1: {  	(tag) =	ssettag $0x0;
	lr =	simm.s32 $0x1  }
0x2: {  	[smem:$0x3F9F] =	sst lr;
	_ =	strace $0xD0000000  }
0x3: {  	_ = 	snop  }
0x4: {  	_ = 	snop  }
0x5: {  	_ = 	snop  }
0x6: {  	_ = 	snop  }
0x7: {  	_ = 	snop  }
__scs_overlays_trampoline_lowered:
0x8: {  	[smem:$0x3FAE] =	sst s0  }
0x9: {  	[smem:$0x3FAF] =	sst s1  }
0xa: {  	[smem:$0x3FB0] =	sst s2  }
0xb: {  	[smem:$0x3FB1] =	sst s3  }
0xc: {  	[smem:$0x3FB2] =	sst s4  }
0xd: {  	[smem:$0x3FB3] =	sst s5  }
0xe: {  	[smem:$0x3FB4] =	sst s6  }
0xf: {  	[smem:$0x3FB5] =	sst s7  }
0x10: {  	[smem:$0x3FB6] =	sst s8  }
0x11: {  	[smem:$0x3FB7] =	sst s9;
	s0 =	simm.s32 @!p0 $0x0  }
0x12: {  	s1 =	sld [smem:$0x3F9D];
	s0 =	simm.s32 @p0 $0x1  }
0x13: {  	[smem:$0x3FB8] =	sst s0;
	s0 =	simm.s32 @!p1 $0x0  }
0x14: {  	s2 =	sld [smem:$0x3F9C];
	s0 =	simm.s32 @p1 $0x1  }
0x15: {  	[smem:$0x3FB9] =	sst s0;
	s0 =	simm.s32 @!p2 $0x0  }
0x16: {  	s3 =	sld [smem:$0x3FDB];
	s0 =	simm.s32 @p2 $0x1  }
0x17: {  	s4 =	simm.s32 $0x1BF5;
	[smem:$0x3FBB] =	sst s0  }
0x18: {  	s0 =	sld [smem:$0x3F9E];
	_ =	swait.ge [sflag:s4], $0x0  }
0x19: {  	s7 =	sld [smem:$0x3F9F]  }
0x1a: {  	s8 =	sadd.s32 $0xFFFFE003, lr  }
0x1b: {  	s9 =	sadd.s32 $0xFFFFFEF7, lr;
	s5 =	simm.s32 $0xFFFFFFFF;
	p2 =	slt.u32 s8, $0xFFFFF086  }
0x1c: {  	p1 =	slt.u32 s9, $0xF7A;
	s5 =	simm.s32 @!p2 $0x0  }
0x1d: {  	s5 =	simm.s32 @p1 $0x1;
	p0 =	seq.s32 s7, s2  }
0x1e: {  	s7 =	smul.u32 @!p0 $0xF7A, s2;
	p2 =	seq.s32 @!p0 s5, $0x0  }
0x1f: {  	s9 =	smul.u32 $0xF7A, s1;
	s8 =	simm.s32 @!p0 $0x1BF5;
	p2 =	por !p2, p0  }
0x20: {  	[sflag:s8] =	ssyncset.s32 @!p0 $0xFFFFF086;
	s6 =	sadd.s32 @!p0 s3, s7;
	s7 =	simm.s32 @!p0 $0x108  }
0x21: {  	s3 =	sadd.s32 s3, s9;
	s6 =	sadd.s32 @!p0 $0x88, s6;
	s7 =	simm.s32 @p2 $0x1082  }
0x22: {  	[simem:s7], [sflag:s8] =	dma.local @!p0 [hbm:s6], $0xF7A  }
0x23: {  	s9 =	sor.u32 $0xD0000000, s2;
	s6 =	simm.s32 $0x108;
	_ =	swait.ge @!p0 [sflag:s8], $0x0  }
0x24: {  	s3 =	sadd.s32 $0x88, s3;
	s6 =	simm.s32 @!p1 $0x1082;
	[sflag:s4] =	ssyncset.s32 $0xFFFFF086  }
0x25: {  	[simem:s6], [sflag:s4] =	dma.local [hbm:s3], $0xF7A  }
0x26: {  	[smem:$0x3F9F] =	sst s1;
	(tag) =	ssettag s2;
	_ =	strace s9  }
0x27: {  	s1 =	sld [smem:$0x3FAF]  }
0x28: {  	s2 =	sld [smem:$0x3FB0]  }
0x29: {  	s4 =	sld [smem:$0x3FB2]  }
0x2a: {  	p0 =	seq.s32 s5, $0x0;
	s5 =	sld [smem:$0x3FB3]  }
0x2b: {  	s6 =	sld [smem:$0x3FB4]  }
0x2c: {  	s7 =	sld [smem:$0x3FB5]  }
0x2d: {  	s3 =	simm.s32 $0x108;
	s8 =	sld [smem:$0x3FB6]  }
0x2e: {  	s3 =	simm.s32 @!p0 $0x1082;
	s9 =	sld [smem:$0x3FB7]  }
0x2f: {  	lr =	sadd.s32 s0, s3;
	s0 =	sld [smem:$0x3FAE]  }
0x30: {  	s3 =	sld [smem:$0x3FB1]  }
0x31: {  	[smem:$0x3FBA] =	sst s10  }
0x32: {  	s10 =	sld [smem:$0x3FB8];
	_ =	sdelay $0x3  }
0x33: {  	p0 =	seq.s32 s10, $0x1;
	s10 =	sld [smem:$0x3FBA];
	_ =	sdelay $0x3  }
0x34: {  	[smem:$0x3FBA] =	sst s10  }
0x35: {  	s10 =	sld [smem:$0x3FB9];
	_ =	sdelay $0x3  }
0x36: {  	p1 =	seq.s32 s10, $0x1;
	s10 =	sld [smem:$0x3FBA];
	_ =	sdelay $0x3  }
0x37: {  	[smem:$0x3FBA] =	sst s10  }
0x38: {  	s10 =	sld [smem:$0x3FBB]  }
0x39: {  	_ = 	snop;
	(pc) =	sbr.ind lr, $3  }
0x3a: {  	_ = 	snop  }
0x3b: {  	_ = 	snop  }
0x3c: {  	p2 =	seq.s32 s10, $0x1;
	s10 =	sld [smem:$0x3FBA]  }
0x3d: {  	_ =	shalt  }
0x3e: {  	_ =	shalt  }
0x3f: {  	_ =	shalt  }
0x40: {  	_ =	shalt  }
0x41: {  	_ =	shalt  }
0x42: {  	_ =	shalt  }
0x43: {  	_ =	shalt  }
0x44: {  	_ =	shalt  }
0x45: {  	_ =	shalt  }
0x46: {  	_ =	shalt  }
0x47: {  	_ =	shalt  }
0x48: {  	_ =	shalt  }
0x49: {  	_ =	shalt  }
0x4a: {  	_ =	shalt  }
0x4b: {  	_ =	shalt  }
0x4c: {  	_ =	shalt  }
0x4d: {  	_ =	shalt  }
0x4e: {  	_ =	shalt  }
0x4f: {  	_ =	shalt  }
0x50: {  	_ =	shalt  }
0x51: {  	_ =	shalt  }
0x52: {  	_ =	shalt  }
0x53: {  	_ =	shalt  }
0x54: {  	_ =	shalt  }
0x55: {  	_ =	shalt  }
0x56: {  	_ =	shalt  }
0x57: {  	_ =	shalt  }
0x58: {  	_ =	shalt  }
0x59: {  	_ =	shalt  }
0x5a: {  	_ =	shalt  }
0x5b: {  	_ =	shalt  }
0x5c: {  	_ =	shalt  }
0x5d: {  	_ =	shalt  }
0x5e: {  	_ =	shalt  }
0x5f: {  	_ =	shalt  }
0x60: {  	_ =	shalt  }
0x61: {  	_ =	shalt  }
0x62: {  	_ =	shalt  }
0x63: {  	_ =	shalt  }
0x64: {  	_ =	shalt  }
0x65: {  	_ =	shalt  }
0x66: {  	_ =	shalt  }
0x67: {  	_ =	shalt  }
0x68: {  	_ =	shalt  }
0x69: {  	_ =	shalt  }
0x6a: {  	_ =	shalt  }
0x6b: {  	_ =	shalt  }
0x6c: {  	_ =	shalt  }
0x6d: {  	_ =	shalt  }
0x6e: {  	_ =	shalt  }
0x6f: {  	_ =	shalt  }
0x70: {  	_ =	shalt  }
0x71: {  	_ =	shalt  }
0x72: {  	_ =	shalt  }
0x73: {  	_ =	shalt  }
0x74: {  	_ =	shalt  }
0x75: {  	_ =	shalt  }
0x76: {  	_ =	shalt  }
0x77: {  	_ =	shalt  }
0x78: {  	_ =	shalt  }
0x79: {  	_ =	shalt  }
0x7a: {  	_ =	shalt  }
0x7b: {  	_ =	shalt  }
0x7c: {  	_ =	shalt  }
0x7d: {  	_ =	shalt  }
0x7e: {  	_ =	shalt  }
0x7f: {  	_ =	shalt  }
0x80: {  	_ =	shalt  }
0x81: {  	_ =	shalt  }
0x82: {  	_ =	shalt  }
0x83: {  	_ =	shalt  }
0x84: {  	_ =	shalt  }
0x85: {  	_ =	shalt  }
0x86: {  	_ =	shalt  }
0x87: {  	_ =	shalt  }
.Lfunc_end0:
.L_simem_size_0:
called_computation_lowered:
.L_overlay_start_0:
0x88: {  	s2 =	sld [smem:$0x3FD9]  }
0x89: {  	s3 =	sld [smem:$0x3FFE];
	_ =	sdelay $0x1  }
0x8a: {  	s1 =	srdreg.scid  }
0x8b: {  	s0 =	sand.u32 $0x1, s1  }
0x8c: {  	s17 =	sshll.u32 s0, $0xA;
	s2 =	sadd.s32 s3, s2  }
0x8d: {  	s2 =	sadd.s32 s2, s17  }
0x8e: {  	[smem:$0x3FC6] =	sst s2  }
0x8f: {  	_ = 	snop  }
0x90: {  	s2 =	sld [smem:$0x3FC9]  }
0x91: {  	s18 =	sld [smem:$0x3FD0];
	(tm) =	ssettm $0x1  }
0x92: {  	s4 =	sld [smem:$0x3FFB];
	_ =	sdelay $0x3  }
0x93: {  	_ =	strace s4  }
0x94: {  	s4 =	sld [smem:$0x3FFC];
	_ =	sdelay $0x3  }
0x95: {  	_ =	strace s4  }
0x96: {  	s4 =	sld [smem:$0x3FFD];
	_ =	sdelay $0x3  }
0x97: {  	_ =	strace s4  }
0x98: {  	_ =	strace $0x8FFFFFFF  }
0x99: {  	s19 =	sld [smem:$0x3FDB];
	_ =	sdelay $0x1  }
0x9a: {  	s5 =	simm.s32 $_scs_section_size  }
0x9b: {  	s6 =	simm.s32 $_size__tile_overlayer_lowered;
	s7 =	simm.s32 $_tile_overlayer_lowered  }
0x9c: {  	s22 =	simm.s32 $0x1BFF;
	s21 =	sshll.u32 s7, $0x1;
	s4 =	sadd.s32 s5, s19  }
0x9d: {  	s8 =	simm.s32 $0x0;
	s20 =	sshll.u32 s6, $0x1;
	s6 =	sadd.s32 s21, s4  }
0x9e: {  	[timem:s8], [sflag:s22] =	dma.local [hbm:s6], s20  }
0x9f: {  	_ =	swait.ge [sflag:s22], s20  }
0xa0: {  	s5 =	ssub.s32 $0x0, s20;
	[sflag:s22] =	ssyncset.done $0x0  }
0xa1: {  	[sflag:s22] =	ssyncadd.s32 s5;
	_ =	sdelay $0x1  }
0xa2: {  	s23 =	simm.s32 $0x1B8B  }
0xa3: {  	_ =	swait.ge [sflag:s23], $0x1  }
0xa4: {  	[sflag:s23] =	ssyncset.done $0x0  }
0xa5: {  	s25 =	simm.s32 $0x1B8E;
	s24 =	sld [smem:$0x3FFE];
	[sflag:s23] =	ssyncadd.s32 $0xFFFFFFFF  }
0xa6: {  	s26 =	simm.s32 $execute0_lowered;
	[smem:$0x3FD2] =	sst s25  }
0xa7: {  	s6 =	sshll.u32 s26, $0x1;
	_ =	strace $0x80000046;
	[dreg:$0x1] =	wrdreg $0xFFFFFFFF  }
0xa8: {  	s28 =	simm.s32 $_size_execute0_lowered;
	s4 =	sadd.s32 s4, s6;
	[dreg:$0x0] =	wrdreg $0x0  }
0xa9: {  	s6 =	sshll.u32 s28, $0x1;
	[dreg:$0x2] =	wrdreg s4  }
0xaa: {  	[dreg:$0x3] =	wrdreg s6  }
0xab: {  	[dreg:$0x4] =	wrdreg $0xC0  }
0xac: {  	_ =	task [dreg:s8], $0x5FFFF  }
0xad: {  	[dreg:$0x1] =	wrdreg $0xFFFFFFFF  }
0xae: {  	[dreg:$0x0] =	wrdreg $0x60  }
0xaf: {  	[dreg:$0x2] =	wrdreg s2  }
0xb0: {  	[dreg:$0x3] =	wrdreg s24  }
0xb1: {  	[dreg:$0x4] =	wrdreg s18  }
0xb2: {  	[dreg:$0x5] =	wrdreg $0x9  }
0xb3: {  	_ =	task.clear_ibuf [dreg:s8], $0x6FFFF;
	_ =	strace $0x90000046  }
0xb4: {  	s29 =	simm.s32 $0x9;
	_ =	strace $0x80000048  }
0xb5: {  	_ =	swait.ge [sflag:s29], $0x1  }
0xb6: {  	[sflag:s29] =	ssyncadd.s32 $0xFFFFFFFF  }
0xb7: {  	_ =	strace $0x90000048  }
0xb8: {  	_ =	sfence  }
0xb9: {  	s30 =	sld [smem:$0x0];
	_ =	sdelay $0x2  }
0xba: {  	s31 =	sshll.u32 s1, $0xD;
	s1 =	sshrl.u32 s1, $0x2  }
0xbb: {  	s3 =	sand.u32 $0x4000, s31;
	s1 =	sadd.s32 s1, s30  }
0xbc: {  	s0 =	sor.u32 s3, s0;
	s1 =	sshll.u32 s1, $0x11  }
0xbd: {  	s0 =	sor.u32 s1, s0  }
0xbe: {  	s0 =	sadd.s32 $0x8F2B, s0  }
0xbf: {  	[sflag:s0] =	ssyncadd.remote.s32 $0x1  }
0xc0: {  	_ =	sfence.sel $0xFFFF  }
0xc1: {  	[dreg:$0x0] =	wrdreg $0xFFFFFFFF;
	(pc) =	sbr.abs _section_cstart, $3  }
0xc2: {  	[dreg:$0x1] =	wrdreg $0xFFFFFFFF  }
0xc3: {  	_ =	task.clear_ibuf [dreg:s8], $0x2FFFF;
	_ =	strace $0x9FFFFFFF  }
0xc4: {  	(tm) =	ssettm $0x7FFFFFFF  }
0xc5: {  	_ =	shalt  }
tec
execute0_lowered:
.L_overlay_start_1:
0x0: {  	(tag) =	ssettag $0x1  }
0x1: {  	s1 =	rddreg [dreg:$0x0]  }
0x2: {  	s5 =	rddreg [dreg:$0x1]  }
0x3: {  	s8 =	rddreg [dreg:$0x2];
	s3 =	srdreg.scid  }
0x4: {  	s0 =	rddreg [dreg:$0x3];
	s2 =	stileid.u32  }
0x5: {  	s11 =	simm.s32 $0x3;
	s12 =	simm.s32 $0x1;
	s13 =	simm.s32 $0x8000  }
0x6: {  	s14 =	simm.s32 $0x2;
	s15 =	simm.s32 $0x15E00;
	s16 =	simm.s32 $0x0  }
0x7: {  	s6 =	sand.u32 $0x1, s3;
	s3 =	simm.s32 $0x0;
	s4 =	sshll.u32 s2, $0xA  }
0x8: {  	s5 =	sadd.s32 $0x400, s5;
	s7 =	sshll.u32 s6, $0x9;
	[smem:$0x7FF] =	sst s3  }
0x9: {  	s30 =	ssub.s32 $0x2, s6;
	s4 =	sor.u32 s7, s4;
	_ =	strace $0x80000047  }
0xa: {  	s9 =	sshrl.u32 s30, $0x1;
	s31 =	sshll.u32 s4, $0x6;
	s10 =	sshrl.u32 s4, $0x3  }
0xb: {  	s9 =	ssub.s32 s30, s9;
	s6 =	sadd.s32 s1, s31;
	s8 =	sadd.s32 s8, s10  }
0xc: {  	v0 =	vlaneseq.u32;
	s9 =	smax.u32 s9, $0x1;
	s10 =	simm.s32 $0x10000;
	s7 =	sadd.s32 $0x2000, s6  }
.LBB2_1:
0xd: {  	[tilespmem:s3], [sflag:$0x1] =	stream.linear.gather [hbm4b:s6+s3], $0x8000, $0x38;
	[tilespmem:$0x16000] =	vst v63  }
0xe: {  	_ = 	snop  }
0xf: {  	[tilespmem:s10], [sflag:$0x3] =	stream.linear.gather [hbm4b:s5+s3], $0x5E00, $0x38;
	[tilespmem:$0x16000] =	vst v63  }
0x10: {  	_ =	swait.ge [sflag:s11], $0x5E00  }
0x11: {  	[sflag:s11] =	ssyncset.done $0x0  }
0x12: {  	s17 =	simm.s32 $0x0;
	[sflag:s11] =	ssyncadd.s32 $0xFFFFA200  }
.LBB2_2:
0x13: {  	s20 =	sshll.u32 s17, $0x7  }
0x14: {  	_ =	swait.ge [sflag:s12], $0x8000;
	s18 =	sor.u32 $0x40, s20  }
0x15: {  	[sflag:s12] =	ssyncset.done $0x0;
	s19 =	sadd.s32 s4, s18  }
0x16: {  	s20 =	sand.u32 $0x3FFFFF80, s20;
	[sflag:s12] =	ssyncadd.s32 $0xFFFF8000;
	s19 =	sshll.u32 s19, $0x6  }
0x17: {  	s20 =	sadd.s32 $0x15E00, s20;
	s21 =	sadd.s32 s1, s19;
	s19 =	simm.s32 $0x0  }
0x18: {  	[tilespmem:s13], [sflag:$0x2] =	stream.linear.gather [hbm4b:s21+s19], $0x8000, $0x38;
	[tilespmem:$0x16000] =	vst v63  }
0x19: {  	v1 =	vmov s20;
	s20 =	simm.s32 $0x0;
	s21 =	simm.s32 $0x0  }
.LBB2_3:
0x1a: {  	s22 =	sand.u32 $0x7000, s20;
	s23 =	sand.u32 $0x300, s19  }
0x1b: {  	s22 =	sor.u32 s23, s22  }
0x1c: {  	v2 =	vld [tilespmem:s22+$0x8C0]  }
0x1d: {  	v16 =	vld [tilespmem:s22+$0x8E0]  }
0x1e: {  	v17 =	vld [tilespmem:s22+$0x840]  }
0x1f: {  	v22 =	vld [tilespmem:s22+$0x860]  }
0x20: {  	v23 =	vld [tilespmem:s22+$0x8D0]  }
0x21: {  	v38 =	vld [tilespmem:s22+$0x8F0]  }
0x22: {  	v42 =	vld [tilespmem:s22+$0x880]  }
0x23: {  	v51 =	vld [tilespmem:s22+$0x8A0]  }
0x24: {  	v44 =	vld [tilespmem:s22+$0x850]  }
0x25: {  	v46 =	vld [tilespmem:s22+$0x870]  }
0x26: {  	v52 =	vld [tilespmem:s22+$0x800]  }
0x27: {  	v54 =	vld [tilespmem:s22+$0x820]  }
0x28: {  	v49 =	vld [tilespmem:s22+$0x890]  }
0x29: {  	v53 =	vld [tilespmem:s22+$0x8B0]  }
0x2a: {  	v55 =	vld [tilespmem:s22+$0x4C0]  }
0x2b: {  	v56 =	vld [tilespmem:s22+$0x4E0]  }
0x2c: {  	v57 =	vld [tilespmem:s22+$0x810]  }
0x2d: {  	v58 =	vld [tilespmem:s22+$0x830]  }
0x2e: {  	v3 =	vld [tilespmem:s22+$0x440]  }
0x2f: {  	v4 =	vld [tilespmem:s22+$0x460]  }
0x30: {  	v59 =	vld [tilespmem:s22+$0x4D0]  }
0x31: {  	v60 =	vld [tilespmem:s22+$0x4F0]  }
0x32: {  	v19 =	vld [tilespmem:s22+$0x480]  }
0x33: {  	v18 =	vld [tilespmem:s22+$0x4A0]  }
0x34: {  	v5 =	vld [tilespmem:s22+$0x450]  }
0x35: {  	v8 =	vld [tilespmem:s22+$0x470]  }
0x36: {  	v10 =	vld [tilespmem:s22+$0x400]  }
0x37: {  	v9 =	vld [tilespmem:s22+$0x420]  }
0x38: {  	v61 =	vld [tilespmem:s22+$0x490]  }
0x39: {  	v35 =	vld [tilespmem:s22+$0x4B0]  }
0x3a: {  	v30 =	vld [tilespmem:s22+$0xC0]  }
0x3b: {  	v20 =	vld [tilespmem:s22+$0xE0]  }
0x3c: {  	v13 =	vld [tilespmem:s22+$0x410]  }
0x3d: {  	v11 =	vld [tilespmem:s22+$0x430]  }
0x3e: {  	v15 =	vld [tilespmem:s22+$0x40]  }
0x3f: {  	v14 =	vld [tilespmem:s22+$0x60]  }
0x40: {  	v41 =	vld [tilespmem:s22+$0xD0]  }
0x41: {  	v32 =	vld [tilespmem:s22+$0xF0]  }
0x42: {  	v40 =	vld [tilespmem:s22+$0x80]  }
0x43: {  	v37 =	vld [tilespmem:s22+$0xA0]  }
0x44: {  	v27 =	vld [tilespmem:s22+$0x50]  }
0x45: {  	v25 =	vld [tilespmem:s22+$0x70]  }
0x46: {  	v34 =	vld [tilespmem:s22+$0x0]  }
0x47: {  	v31 =	vld [tilespmem:s22+$0x20]  }
0x48: {  	s29 =	sand.u32 $0x3, s19;
	v48 =	vld [tilespmem:s22+$0x90]  }
0x49: {  	s23 =	sshll.u32 s29, $0x8;
	v47 =	vld [tilespmem:s22+$0xB0]  }
0x4a: {  	s23 =	sadd.s32 s23, s20;
	v45 =	vld [tilespmem:s22+$0x10]  }
0x4b: {  	v43 =	vld [tilespmem:s22+$0x30];
	s30 =	sor.u32 $0xC40, s23  }
0x4c: {  	s31 =	sor.u32 $0xC60, s23;
	v6 =	vld [tilespmem:s30+$0x0]  }
0x4d: {  	s24 =	sor.u32 $0xC50, s23;
	v7 =	vld [tilespmem:s31+$0x0]  }
0x4e: {  	s25 =	sor.u32 $0xC70, s23;
	v29 =	vld [tilespmem:s24+$0x0]  }
0x4f: {  	s26 =	sor.u32 $0xC00, s23;
	v28 =	vld [tilespmem:s25+$0x0]  }
0x50: {  	s28 =	sor.u32 $0xC20, s23;
	v26 =	vld [tilespmem:s26+$0x0]  }
0x51: {  	s29 =	sor.u32 $0xC10, s23;
	v12 =	vld [tilespmem:s28+$0x0]  }
0x52: {  	v36 =	vld [tilespmem:s29+$0x0];
	s30 =	sor.u32 $0xC30, s23;
	s23 =	sadd.s32 $0x80, s23  }
0x53: {  	v39 =	vld [tilespmem:s30+$0x0];
	s31 =	sor.u32 $0xC40, s23  }
0x54: {  	s24 =	sor.u32 $0xC60, s23;
	v24 =	vld [tilespmem:s31+$0x0]  }
0x55: {  	s25 =	sor.u32 $0xC50, s23;
	v21 =	vld [tilespmem:s24+$0x0]  }
0x56: {  	s28 =	sor.u32 $0xC00, s23;
	v33 =	vld [tilespmem:s25+$0x0];
	v23 =	vshll.u32 v23, $0x8  }
0x57: {  	s26 =	sor.u32 $0xC70, s23;
	v50 =	vshll.u32 v44, $0x8;
	v44 =	vld [tilespmem:s28+$0x0];
	v2 =	vadd.s32 v2, v23;
	v23 =	vshll.u32 v38, $0x8  }
0x58: {  	s29 =	sor.u32 $0xC20, s23;
	v38 =	vld [tilespmem:s26+$0x0];
	v16 =	vadd.s32 v16, v23  }
0x59: {  	s31 =	sor.u32 $0xC30, s23;
	v62 =	vadd.s32 v17, v50;
	v17 =	vshll.u32 v46, $0x8;
	v46 =	vld [tilespmem:s29+$0x0]  }
0x5a: {  	s30 =	sor.u32 $0xC10, s23;
	v50 =	vld [tilespmem:s31+$0x0];
	v23 =	vshll.u32 v49, $0x8;
	v22 =	vadd.s32 v22, v17  }
0x5b: {  	v53 =	vshll.u32 v53, $0x8;
	v49 =	vld [tilespmem:s30+$0x0];
	v42 =	vadd.s32 v42, v23  }
0x5c: {  	v63 =	vshll.u32 v57, $0x8;
	v57 =	vadd.s32 v51, v53;
	v17 =	vld.idx.msk [tilespmem:v2+s10+$0x0], $0xffff  }
0x5d: {  	v58 =	vshll.u32 v58, $0x8;
	v53 =	vadd.s32 v52, v63;
	v23 =	vld.idx.msk [tilespmem:v16+s10+$0x0], $0xffff  }
0x5e: {  	v51 =	vadd.s32 v54, v58;
	v16 =	vld.idx.msk [tilespmem:v62+s10+$0x0], $0xffff;
	v62 =	vshll.u32 v59, $0x8  }
0x5f: {  	s22 =	simm.s32 $0x0;
	s23 =	simm.s32 $0x2;
	v63 =	vshll.u32 v60, $0x8;
	v22 =	vld.idx.msk [tilespmem:v22+s10+$0x0], $0xffff;
	v54 =	vadd.s32 v55, v62  }
0x60: {  	s24 =	simm.s32 $0x0;
	s25 =	smov.u32 s20;
	s26 =	simm.s32 $0x0;
	v52 =	vadd.s32 v56, v63;
	v2 =	vimm.f32 $0.0e+00;
	v55 =	vshll.u32 v61, $0x8;
	v42 =	vld.idx.msk [tilespmem:v42+s10+$0x0], $0xffff  }
.LBB2_4:
0x61: {  	p0 =	sne.s32 s23, $0xE;
	v19 =	vadd.s32 v19, v55;
	v35 =	vshll.u32 v35, $0x8;
	v55 =	vld.idx.msk [tilespmem:v57+s10+$0x0], $0xffff  }
0x62: {  	v41 =	vshll.u32 v41, $0x8;
	v18 =	vadd.s32 v18, v35;
	v35 =	vld.idx.msk [tilespmem:v53+s10+$0x0], $0xffff  }
0x63: {  	v48 =	vshll.u32 v48, $0x8;
	v30 =	vadd.s32 v30, v41;
	v41 =	vld.idx.msk [tilespmem:v51+s10+$0x0], $0xffff  }
0x64: {  	v47 =	vshll.u32 v47, $0x8;
	v40 =	vadd.s32 v40, v48;
	v48 =	vld.idx.msk [tilespmem:v54+s10+$0x0], $0xffff  }
0x65: {  	v32 =	vshll.u32 v32, $0x8;
	v37 =	vadd.s32 v37, v47;
	v47 =	vld.idx.msk [tilespmem:v52+s10+$0x0], $0xffff  }
0x66: {  	v45 =	vshll.u32 v45, $0x8;
	v20 =	vadd.s32 v20, v32;
	v19 =	vld.idx.msk [tilespmem:v19+s10+$0x0], $0xffff  }
0x67: {  	v32 =	vadd.s32 v34, v45;
	v34 =	vshll.u32 v43, $0x8;
	v18 =	vld.idx.msk [tilespmem:v18+s10+$0x0], $0xffff  }
0x68: {  	v27 =	vshll.u32 v27, $0x8;
	v31 =	vadd.s32 v31, v34;
	v30 =	vld.idx.msk [tilespmem:v30+s10+$0x0], $0xffff  }
0x69: {  	v25 =	vshll.u32 v25, $0x8;
	v15 =	vadd.s32 v15, v27;
	v34 =	vld.idx.msk [tilespmem:v40+s10+$0x0], $0xffff  }
0x6a: {  	v13 =	vshll.u32 v13, $0x8;
	v14 =	vadd.s32 v14, v25;
	v27 =	vld.idx.msk [tilespmem:v37+s10+$0x0], $0xffff  }
0x6b: {  	v11 =	vshll.u32 v11, $0x8;
	v10 =	vadd.s32 v10, v13;
	v20 =	vld.idx.msk [tilespmem:v20+s10+$0x0], $0xffff  }
0x6c: {  	v5 =	vshll.u32 v5, $0x8;
	v8 =	vshll.u32 v8, $0x8;
	v9 =	vadd.s32 v9, v11;
	v13 =	vld.idx.msk [tilespmem:v32+s10+$0x0], $0xffff  }
0x6d: {  	v3 =	vadd.s32 v3, v5;
	v4 =	vadd.s32 v4, v8;
	v5 =	vshll.u32 v29, $0x8;
	v11 =	vld.idx.msk [tilespmem:v31+s10+$0x0], $0xffff  }
0x6e: {  	v28 =	vshll.u32 v28, $0x8;
	v25 =	vshll.u32 v39, $0x8;
	v8 =	vld.idx.msk [tilespmem:v15+s10+$0x0], $0xffff;
	v15 =	vshll.u32 v36, $0x8  }
0x6f: {  	v29 =	vshll.u32 v50, $0x8;
	v14 =	vld.idx.msk [tilespmem:v14+s10+$0x0], $0xffff;
	v15 =	vadd.s32 v26, v15;
	v26 =	vshll.u32 v49, $0x8  }
0x70: {  	v31 =	vadd.f32 $0.0e+00, v34;
	v27 =	vadd.f32 $0.0e+00, v27;
	v10 =	vld.idx.msk [tilespmem:v10+s10+$0x0], $0xffff;
	v26 =	vadd.s32 v44, v26  }
0x71: {  	v29 =	vadd.s32 v46, v29;
	v32 =	vshll.u32 v33, $0x8;
	v33 =	vshll.u32 v38, $0x8;
	v9 =	vld.idx.msk [tilespmem:v9+s10+$0x0], $0xffff  }
0x72: {  	v24 =	vadd.s32 v24, v32;
	v30 =	vadd.f32 v30, v31;
	v20 =	vadd.f32 v20, v27;
	v3 =	vld.idx.msk [tilespmem:v3+s10+$0x0], $0xffff  }
0x73: {  	v21 =	vadd.s32 v21, v33;
	v13 =	vadd.f32 $0.0e+00, v13;
	v11 =	vadd.f32 $0.0e+00, v11;
	v4 =	vld.idx.msk [tilespmem:v4+s10+$0x0], $0xffff  }
0x74: {  	v12 =	vadd.s32 v12, v25;
	v19 =	vadd.f32 v19, v30;
	v18 =	vadd.f32 v18, v20;
	v15 =	vld.idx.msk [tilespmem:v15+s10+$0x0], $0xffff  }
0x75: {  	v5 =	vadd.s32 v6, v5;
	v8 =	vadd.f32 v8, v13;
	v11 =	vadd.f32 v14, v11;
	v13 =	vld.idx.msk [tilespmem:v26+s10+$0x0], $0xffff  }
0x76: {  	v7 =	vadd.s32 v7, v28;
	v6 =	vadd.f32 v48, v19;
	v14 =	vadd.f32 v47, v18;
	v18 =	vld.idx.msk [tilespmem:v29+s10+$0x0], $0xffff  }
0x77: {  	v8 =	vadd.f32 v10, v8;
	v9 =	vadd.f32 v9, v11;
	v10 =	vld.idx.msk [tilespmem:v24+s10+$0x0], $0xffff  }
0x78: {  	v6 =	vadd.f32 v42, v6;
	v11 =	vadd.f32 v55, v14;
	v14 =	vld.idx.msk [tilespmem:v21+s10+$0x0], $0xffff  }
0x79: {  	s24 =	sadd.s32 $0x100, s24;
	s25 =	sadd.s32 $0x400, s25;
	v3 =	vadd.f32 v3, v8;
	v4 =	vadd.f32 v4, v9;
	v8 =	vld.idx.msk [tilespmem:v12+s10+$0x0], $0xffff  }
0x7a: {  	s28 =	sand.u32 $0x7000, s25;
	s29 =	sand.u32 $0x300, s24;
	v6 =	vadd.f32 v17, v6;
	v9 =	vadd.f32 v23, v11;
	v5 =	vld.idx.msk [tilespmem:v5+s10+$0x0], $0xffff  }
0x7b: {  	s28 =	sor.u32 s29, s28;
	v3 =	vadd.f32 v35, v3;
	v4 =	vadd.f32 v41, v4;
	v7 =	vld.idx.msk [tilespmem:v7+s10+$0x0], $0xffff  }
0x7c: {  	v6 =	vadd.f32 v13, v6;
	v9 =	vadd.f32 v18, v9;
	v38 =	vld [tilespmem:s28+$0x8C0]  }
0x7d: {  	v3 =	vadd.f32 v16, v3;
	v4 =	vadd.f32 v22, v4;
	v23 =	vld [tilespmem:s28+$0x8E0]  }
0x7e: {  	v6 =	vadd.f32 v10, v6;
	v9 =	vadd.f32 v14, v9;
	v17 =	vld [tilespmem:s28+$0x840]  }
0x7f: {  	v3 =	vadd.f32 v15, v3;
	v4 =	vadd.f32 v8, v4;
	v16 =	vld [tilespmem:s28+$0x860]  }
0x80: {  	v6 =	vadd.f32 v9, v6;
	v33 =	vld [tilespmem:s28+$0x8D0]  }
0x81: {  	v3 =	vadd.f32 v5, v3;
	v4 =	vadd.f32 v7, v4;
	v44 =	vld [tilespmem:s28+$0x8F0]  }
0x82: {  	v5 =	vmul.f32 $1.953125000e-03, v6;
	v42 =	vld [tilespmem:s28+$0x880]  }
0x83: {  	v3 =	vadd.f32 v4, v3;
	v22 =	vld [tilespmem:s28+$0x8A0]  }
0x84: {  	v49 =	vld [tilespmem:s28+$0x850];
	(xrf2) =	vadd.scan.msk.f32 $0xffff, v5  }
0x85: {  	v3 =	vmul.f32 $1.953125000e-03, v3;
	v46 =	vld [tilespmem:s28+$0x870]  }
0x86: {  	v53 =	vld [tilespmem:s28+$0x800]  }
0x87: {  	v51 =	vld [tilespmem:s28+$0x820];
	(xrf2) =	vadd.scan.msk.f32 $0xffff, v3  }
0x88: {  	v59 =	vld [tilespmem:s28+$0x890]  }
0x89: {  	v50 =	vld [tilespmem:s28+$0x8B0]  }
0x8a: {  	v54 =	vld [tilespmem:s28+$0x4C0]  }
0x8b: {  	v52 =	vld [tilespmem:s28+$0x4E0]  }
0x8c: {  	v57 =	vld [tilespmem:s28+$0x810]  }
0x8d: {  	v55 =	vld [tilespmem:s28+$0x830]  }
0x8e: {  	v3 =	vld [tilespmem:s28+$0x440];
	v5, _, _ =	vpop (xrf2)  }
0x8f: {  	v4 =	vld [tilespmem:s28+$0x460]  }
0x90: {  	v58 =	vld [tilespmem:s28+$0x4D0]  }
0x91: {  	v56 =	vld [tilespmem:s28+$0x4F0];
	v6, _, _ =	vpop (xrf2)  }
0x92: {  	s29 =	sadd.s32 $0x1, s22;
	v7 =	vmov s22;
	s22 =	smov.u32 s23;
	v19 =	vld [tilespmem:s28+$0x480];
	v6 =	vbroadcast v6, $0xF  }
0x93: {  	vm0 =	veq.s32 v7, v0;
	v7 =	vmov s29;
	v9 =	vbroadcast v5, $0xF;
	v18 =	vld [tilespmem:s28+$0x4A0]  }
0x94: {  	v5 =	vld [tilespmem:s28+$0x450];
	v2 =	vsel vm0, v6, v2;
	vm0 =	veq.s32 v7, v0  }
0x95: {  	v8 =	vld [tilespmem:s28+$0x470];
	v2 =	vsel vm0, v9, v2  }
0x96: {  	v10 =	vld [tilespmem:s28+$0x400]  }
0x97: {  	v9 =	vld [tilespmem:s28+$0x420]  }
0x98: {  	v60 =	vld [tilespmem:s28+$0x490]  }
0x99: {  	v35 =	vld [tilespmem:s28+$0x4B0]  }
0x9a: {  	v30 =	vld [tilespmem:s28+$0xC0]  }
0x9b: {  	v20 =	vld [tilespmem:s28+$0xE0]  }
0x9c: {  	v13 =	vld [tilespmem:s28+$0x410]  }
0x9d: {  	v11 =	vld [tilespmem:s28+$0x430]  }
0x9e: {  	v15 =	vld [tilespmem:s28+$0x40]  }
0x9f: {  	v14 =	vld [tilespmem:s28+$0x60]  }
0xa0: {  	v41 =	vld [tilespmem:s28+$0xD0]  }
0xa1: {  	v32 =	vld [tilespmem:s28+$0xF0]  }
0xa2: {  	v40 =	vld [tilespmem:s28+$0x80]  }
0xa3: {  	v37 =	vld [tilespmem:s28+$0xA0]  }
0xa4: {  	v27 =	vld [tilespmem:s28+$0x50]  }
0xa5: {  	v25 =	vld [tilespmem:s28+$0x70]  }
0xa6: {  	v34 =	vld [tilespmem:s28+$0x0]  }
0xa7: {  	s26 =	sadd.s32 $0x1, s26;
	v31 =	vld [tilespmem:s28+$0x20]  }
0xa8: {  	s29 =	sand.u32 $0x3, s26;
	v48 =	vld [tilespmem:s28+$0x90]  }
0xa9: {  	s29 =	sshll.u32 s29, $0x8;
	v47 =	vld [tilespmem:s28+$0xB0]  }
0xaa: {  	s29 =	sadd.s32 s29, s25;
	v45 =	vld [tilespmem:s28+$0x10]  }
0xab: {  	v43 =	vld [tilespmem:s28+$0x30];
	s28 =	sor.u32 $0xC40, s29  }
0xac: {  	v6 =	vld [tilespmem:s28+$0x0];
	s28 =	sor.u32 $0xC60, s29  }
0xad: {  	s30 =	sor.u32 $0xC50, s29;
	v7 =	vld [tilespmem:s28+$0x0]  }
0xae: {  	s28 =	sor.u32 $0xC70, s29;
	v29 =	vld [tilespmem:s30+$0x0]  }
0xaf: {  	s30 =	sor.u32 $0xC00, s29;
	v28 =	vld [tilespmem:s28+$0x0]  }
0xb0: {  	s28 =	sor.u32 $0xC20, s29;
	v26 =	vld [tilespmem:s30+$0x0]  }
0xb1: {  	s30 =	sor.u32 $0xC10, s29;
	v12 =	vld [tilespmem:s28+$0x0]  }
0xb2: {  	s28 =	sor.u32 $0xC30, s29;
	s29 =	sadd.s32 $0x80, s29;
	v36 =	vld [tilespmem:s30+$0x0]  }
0xb3: {  	v39 =	vld [tilespmem:s28+$0x0];
	s28 =	sor.u32 $0xC40, s29  }
0xb4: {  	v24 =	vld [tilespmem:s28+$0x0];
	s28 =	sor.u32 $0xC60, s29  }
0xb5: {  	s30 =	sor.u32 $0xC50, s29;
	v21 =	vld [tilespmem:s28+$0x0]  }
0xb6: {  	v61 =	vshll.u32 v33, $0x8;
	s28 =	sor.u32 $0xC70, s29;
	v33 =	vld [tilespmem:s30+$0x0]  }
0xb7: {  	v61 =	vadd.s32 v38, v61;
	v44 =	vshll.u32 v44, $0x8;
	s30 =	sor.u32 $0xC00, s29;
	v38 =	vld [tilespmem:s28+$0x0]  }
0xb8: {  	v23 =	vadd.s32 v23, v44;
	v49 =	vshll.u32 v49, $0x8;
	s28 =	sor.u32 $0xC20, s29;
	v44 =	vld [tilespmem:s30+$0x0]  }
0xb9: {  	v62 =	vadd.s32 v17, v49;
	v17 =	vshll.u32 v46, $0x8;
	s30 =	sor.u32 $0xC10, s29;
	v46 =	vld [tilespmem:s28+$0x0]  }
0xba: {  	v63 =	vadd.s32 v16, v17;
	v59 =	vshll.u32 v59, $0x8;
	s28 =	sor.u32 $0xC30, s29;
	v49 =	vld [tilespmem:s30+$0x0]  }
0xbb: {  	v42 =	vadd.s32 v42, v59;
	v16 =	vshll.u32 v50, $0x8;
	v50 =	vld [tilespmem:s28+$0x0]  }
.Ltmp0:
0xbc: {  	v59 =	vshll.u32 v57, $0x8;
	v57 =	vadd.s32 v22, v16;
	v17 =	vld.idx.msk [tilespmem:v61+s10+$0x0], $0xffff;
	(pc) =	sbr.rel @p0 .LBB2_4-.Ltmp0, $4  }
0xbd: {  	v53 =	vadd.s32 v53, v59;
	v16 =	vshll.u32 v55, $0x8;
	v23 =	vld.idx.msk [tilespmem:v23+s10+$0x0], $0xffff  }
0xbe: {  	v51 =	vadd.s32 v51, v16;
	v22 =	vshll.u32 v58, $0x8;
	v16 =	vld.idx.msk [tilespmem:v62+s10+$0x0], $0xffff  }
0xbf: {  	v54 =	vadd.s32 v54, v22;
	v56 =	vshll.u32 v56, $0x8;
	v22 =	vld.idx.msk [tilespmem:v63+s10+$0x0], $0xffff  }
0xc0: {  	s23 =	sadd.s32 $0x2, s23;
	v52 =	vadd.s32 v52, v56;
	v55 =	vshll.u32 v60, $0x8;
	v42 =	vld.idx.msk [tilespmem:v42+s10+$0x0], $0xffff  }
0xc1: {  	_ =	sdelay $0x3  }
0xc2: {  	v19 =	vadd.s32 v19, v55;
	v35 =	vshll.u32 v35, $0x8;
	v55 =	vld.idx.msk [tilespmem:v57+s10+$0x0], $0xffff  }
0xc3: {  	v41 =	vshll.u32 v41, $0x8;
	v18 =	vadd.s32 v18, v35;
	v35 =	vld.idx.msk [tilespmem:v53+s10+$0x0], $0xffff  }
0xc4: {  	v48 =	vshll.u32 v48, $0x8;
	v30 =	vadd.s32 v30, v41;
	v41 =	vld.idx.msk [tilespmem:v51+s10+$0x0], $0xffff  }
0xc5: {  	v47 =	vshll.u32 v47, $0x8;
	v40 =	vadd.s32 v40, v48;
	v53 =	vld.idx.msk [tilespmem:v54+s10+$0x0], $0xffff  }
0xc6: {  	v32 =	vshll.u32 v32, $0x8;
	v37 =	vadd.s32 v37, v47;
	v54 =	vld.idx.msk [tilespmem:v52+s10+$0x0], $0xffff  }
0xc7: {  	v45 =	vshll.u32 v45, $0x8;
	v20 =	vadd.s32 v20, v32;
	v19 =	vld.idx.msk [tilespmem:v19+s10+$0x0], $0xffff  }
0xc8: {  	v57 =	vshll.u32 v43, $0x8;
	v56 =	vadd.s32 v34, v45;
	v18 =	vld.idx.msk [tilespmem:v18+s10+$0x0], $0xffff  }
0xc9: {  	v27 =	vshll.u32 v27, $0x8;
	v31 =	vadd.s32 v31, v57;
	v30 =	vld.idx.msk [tilespmem:v30+s10+$0x0], $0xffff  }
0xca: {  	v25 =	vshll.u32 v25, $0x8;
	v15 =	vadd.s32 v15, v27;
	v58 =	vld.idx.msk [tilespmem:v40+s10+$0x0], $0xffff  }
0xcb: {  	v13 =	vshll.u32 v13, $0x8;
	v14 =	vadd.s32 v14, v25;
	v59 =	vld.idx.msk [tilespmem:v37+s10+$0x0], $0xffff  }
0xcc: {  	v11 =	vshll.u32 v11, $0x8;
	v10 =	vadd.s32 v10, v13;
	v20 =	vld.idx.msk [tilespmem:v20+s10+$0x0], $0xffff  }
0xcd: {  	v5 =	vshll.u32 v5, $0x8;
	v8 =	vshll.u32 v8, $0x8;
	v9 =	vadd.s32 v9, v11;
	v60 =	vld.idx.msk [tilespmem:v56+s10+$0x0], $0xffff  }
0xce: {  	v62 =	vshll.u32 v29, $0x8;
	v28 =	vshll.u32 v28, $0x8;
	v3 =	vadd.s32 v3, v5;
	v61 =	vld.idx.msk [tilespmem:v31+s10+$0x0], $0xffff  }
0xcf: {  	v43 =	vshll.u32 v33, $0x8;
	v4 =	vadd.s32 v4, v8;
	v32 =	vshll.u32 v36, $0x8;
	v63 =	vld.idx.msk [tilespmem:v15+s10+$0x0], $0xffff  }
0xd0: {  	v36 =	vshll.u32 v39, $0x8;
	v39 =	vshll.u32 v50, $0x8;
	v5 =	vadd.s32 v6, v62;
	v14 =	vld.idx.msk [tilespmem:v14+s10+$0x0], $0xffff  }
0xd1: {  	v24 =	vadd.s32 v24, v43;
	v29 =	vadd.s32 v46, v39;
	v12 =	vadd.s32 v12, v36;
	v10 =	vld.idx.msk [tilespmem:v10+s10+$0x0], $0xffff  }
0xd2: {  	v15 =	vadd.s32 v26, v32;
	v9 =	vld.idx.msk [tilespmem:v9+s10+$0x0], $0xffff;
	v40 =	vadd.f32 $0.0e+00, v58;
	v27 =	vadd.f32 $0.0e+00, v59  }
0xd3: {  	v37 =	vshll.u32 v49, $0x8;
	v3 =	vld.idx.msk [tilespmem:v3+s10+$0x0], $0xffff;
	v13 =	vadd.f32 $0.0e+00, v60;
	v11 =	vadd.f32 $0.0e+00, v61  }
0xd4: {  	v4 =	vld.idx.msk [tilespmem:v4+s10+$0x0], $0xffff;
	v26 =	vadd.s32 v44, v37;
	v30 =	vadd.f32 v30, v40;
	v20 =	vadd.f32 v20, v27  }
0xd5: {  	v5 =	vld.idx.msk [tilespmem:v5+s10+$0x0], $0xffff;
	v44 =	vshll.u32 v38, $0x8;
	v8 =	vadd.f32 v63, v13;
	v11 =	vadd.f32 v14, v11  }
0xd6: {  	v50 =	vld.idx.msk [tilespmem:v29+s10+$0x0], $0xffff;
	v21 =	vadd.s32 v21, v44;
	v45 =	vadd.f32 v19, v30;
	v46 =	vadd.f32 v18, v20  }
0xd7: {  	v7 =	vadd.s32 v7, v28;
	v15 =	vld.idx.msk [tilespmem:v15+s10+$0x0], $0xffff;
	v8 =	vadd.f32 v10, v8;
	v9 =	vadd.f32 v9, v11  }
0xd8: {  	v58 =	vld.idx.msk [tilespmem:v12+s10+$0x0], $0xffff;
	v51 =	vadd.f32 v53, v45;
	v52 =	vadd.f32 v54, v46  }
0xd9: {  	v49 =	vld.idx.msk [tilespmem:v26+s10+$0x0], $0xffff;
	v3 =	vadd.f32 v3, v8;
	v4 =	vadd.f32 v4, v9  }
0xda: {  	v53 =	vld.idx.msk [tilespmem:v24+s10+$0x0], $0xffff;
	v56 =	vadd.f32 v42, v51;
	v57 =	vadd.f32 v55, v52  }
0xdb: {  	v54 =	vld.idx.msk [tilespmem:v21+s10+$0x0], $0xffff;
	v3 =	vadd.f32 v35, v3;
	v4 =	vadd.f32 v41, v4  }
0xdc: {  	v7 =	vld.idx.msk [tilespmem:v7+s10+$0x0], $0xffff;
	v8 =	vadd.f32 v17, v56;
	v9 =	vadd.f32 v23, v57  }
0xdd: {  	v3 =	vadd.f32 v16, v3;
	v4 =	vadd.f32 v22, v4  }
0xde: {  	v8 =	vadd.f32 v49, v8;
	v6 =	vadd.f32 v50, v9  }
0xdf: {  	v3 =	vadd.f32 v15, v3;
	v4 =	vadd.f32 v58, v4  }
0xe0: {  	v8 =	vadd.f32 v53, v8;
	v6 =	vadd.f32 v54, v6  }
0xe1: {  	v3 =	vadd.f32 v5, v3;
	v4 =	vadd.f32 v7, v4  }
0xe2: {  	v59 =	vadd.f32 v6, v8  }
0xe3: {  	v3 =	vadd.f32 v4, v3  }
0xe4: {  	v60 =	vmul.f32 $1.953125000e-03, v59  }
0xe5: {  	v3 =	vmul.f32 $1.953125000e-03, v3  }
0xe6: {  	(xrf2) =	vadd.scan.msk.f32 $0xffff, v60  }
0xe7: {  	(xrf2) =	vadd.scan.msk.f32 $0xffff, v3;
	_ =	sdelay $0x8  }
0xe8: {  	s31 =	sshll.u32 s21, $0x4;
	s21 =	sadd.s32 $0x1, s21;
	v3, _, _ =	vpop (xrf2)  }
0xe9: {  	p0 =	sne.s32 s21, $0x4;
	v61, _, _ =	vpop (xrf2)  }
.Ltmp1:
0xea: {  	s30 =	sadd.s32 $0x1, s22;
	v62 =	vmov s22;
	v4 =	vbroadcast v61, $0xF;
	(pc) =	sbr.rel @p0 .LBB2_3-.Ltmp1, $4  }
0xeb: {  	vm0 =	veq.s32 v62, v0;
	v63 =	vmov s30;
	v3 =	vbroadcast v3, $0xF  }
0xec: {  	vm15 =	veq.s32 v63, v0;
	v2 =	vsel vm0, v4, v2  }
0xed: {  	s22 =	sand.u32 $0x3FFFFFF0, s31;
	v2 =	vsel vm15, v3, v2  }
0xee: {  	s20 =	sadd.s32 $0x2000, s20;
	[tilespmem:v1+s22+$0x0 ss:$0x1] =	vst.idx.msk $0xffff, v2  }
0xef: {  	_ =	swait.ge [sflag:s14], $0x8000;
	p0 =	seq.s32 s17, $0x3  }
0xf0: {  	s31 =	sadd.s32 $0x15E00, s18;
	[sflag:s14] =	ssyncset.done $0x0;
	s19 =	sshll.u32 @!p0 s17, $0xD  }
0xf1: {  	s20 =	simm.s32 @!p0 $0x0;
	[sflag:s14] =	ssyncadd.s32 $0xFFFF8000;
	s19 =	sadd.s32 @!p0 s19, s7  }
0xf2: {  	[tilespmem:s20], [sflag:$0x1] =	stream.linear.gather @!p0 [hbm4b:s19+s20], $0x8000, $0x38;
	[tilespmem:$0x16000] =	vst v63  }
0xf3: {  	s18 =	simm.s32 $0x0;
	v1 =	vmov s31;
	s19 =	simm.s32 $0x0;
	s20 =	simm.s32 $0x0  }
.LBB2_7:
0xf4: {  	s21 =	sand.u32 $0x7000, s19;
	s22 =	sand.u32 $0x300, s18  }
0xf5: {  	s21 =	sor.u32 s22, s21  }
0xf6: {  	v2 =	vld [tilespmem:s21+$0x88C0]  }
0xf7: {  	v16 =	vld [tilespmem:s21+$0x88E0]  }
0xf8: {  	v17 =	vld [tilespmem:s21+$0x8840]  }
0xf9: {  	v22 =	vld [tilespmem:s21+$0x8860]  }
0xfa: {  	v23 =	vld [tilespmem:s21+$0x88D0]  }
0xfb: {  	v38 =	vld [tilespmem:s21+$0x88F0]  }
0xfc: {  	v42 =	vld [tilespmem:s21+$0x8880]  }
0xfd: {  	v51 =	vld [tilespmem:s21+$0x88A0]  }
0xfe: {  	v44 =	vld [tilespmem:s21+$0x8850]  }
0xff: {  	v46 =	vld [tilespmem:s21+$0x8870]  }
0x100: {  	v52 =	vld [tilespmem:s21+$0x8800]  }
0x101: {  	v54 =	vld [tilespmem:s21+$0x8820]  }
0x102: {  	v49 =	vld [tilespmem:s21+$0x8890]  }
0x103: {  	v53 =	vld [tilespmem:s21+$0x88B0]  }
0x104: {  	v55 =	vld [tilespmem:s21+$0x84C0]  }
0x105: {  	v56 =	vld [tilespmem:s21+$0x84E0]  }
0x106: {  	v57 =	vld [tilespmem:s21+$0x8810]  }
0x107: {  	v58 =	vld [tilespmem:s21+$0x8830]  }
0x108: {  	v3 =	vld [tilespmem:s21+$0x8440]  }
0x109: {  	v4 =	vld [tilespmem:s21+$0x8460]  }
0x10a: {  	v59 =	vld [tilespmem:s21+$0x84D0]  }
0x10b: {  	v60 =	vld [tilespmem:s21+$0x84F0]  }
0x10c: {  	v19 =	vld [tilespmem:s21+$0x8480]  }
0x10d: {  	v18 =	vld [tilespmem:s21+$0x84A0]  }
0x10e: {  	v5 =	vld [tilespmem:s21+$0x8450]  }
0x10f: {  	v8 =	vld [tilespmem:s21+$0x8470]  }
0x110: {  	v10 =	vld [tilespmem:s21+$0x8400]  }
0x111: {  	v9 =	vld [tilespmem:s21+$0x8420]  }
0x112: {  	v61 =	vld [tilespmem:s21+$0x8490]  }
0x113: {  	v35 =	vld [tilespmem:s21+$0x84B0]  }
0x114: {  	v30 =	vld [tilespmem:s21+$0x80C0]  }
0x115: {  	v20 =	vld [tilespmem:s21+$0x80E0]  }
0x116: {  	v13 =	vld [tilespmem:s21+$0x8410]  }
0x117: {  	v11 =	vld [tilespmem:s21+$0x8430]  }
0x118: {  	v15 =	vld [tilespmem:s21+$0x8040]  }
0x119: {  	v14 =	vld [tilespmem:s21+$0x8060]  }
0x11a: {  	v41 =	vld [tilespmem:s21+$0x80D0]  }
0x11b: {  	v32 =	vld [tilespmem:s21+$0x80F0]  }
0x11c: {  	v40 =	vld [tilespmem:s21+$0x8080]  }
0x11d: {  	v37 =	vld [tilespmem:s21+$0x80A0]  }
0x11e: {  	v27 =	vld [tilespmem:s21+$0x8050]  }
0x11f: {  	v25 =	vld [tilespmem:s21+$0x8070]  }
0x120: {  	v34 =	vld [tilespmem:s21+$0x8000]  }
0x121: {  	v31 =	vld [tilespmem:s21+$0x8020]  }
0x122: {  	s23 =	sand.u32 $0x3, s18;
	v48 =	vld [tilespmem:s21+$0x8090]  }
0x123: {  	s22 =	sshll.u32 s23, $0x8;
	v47 =	vld [tilespmem:s21+$0x80B0]  }
0x124: {  	s22 =	sadd.s32 s22, s19;
	v45 =	vld [tilespmem:s21+$0x8010]  }
0x125: {  	v43 =	vld [tilespmem:s21+$0x8030];
	s24 =	sor.u32 $0xC40, s22  }
0x126: {  	s25 =	sor.u32 $0xC60, s22;
	v6 =	vld [tilespmem:s24+$0x8000]  }
0x127: {  	s23 =	sor.u32 $0xC50, s22;
	v7 =	vld [tilespmem:s25+$0x8000]  }
0x128: {  	s26 =	sor.u32 $0xC70, s22;
	v29 =	vld [tilespmem:s23+$0x8000]  }
0x129: {  	s28 =	sor.u32 $0xC00, s22;
	v28 =	vld [tilespmem:s26+$0x8000]  }
0x12a: {  	s29 =	sor.u32 $0xC20, s22;
	v26 =	vld [tilespmem:s28+$0x8000]  }
0x12b: {  	s30 =	sor.u32 $0xC10, s22;
	v12 =	vld [tilespmem:s29+$0x8000]  }
0x12c: {  	s31 =	sor.u32 $0xC30, s22;
	s22 =	sadd.s32 $0x80, s22;
	v36 =	vld [tilespmem:s30+$0x8000]  }
0x12d: {  	v39 =	vld [tilespmem:s31+$0x8000];
	s23 =	sor.u32 $0xC40, s22  }
0x12e: {  	s24 =	sor.u32 $0xC60, s22;
	v24 =	vld [tilespmem:s23+$0x8000]  }
0x12f: {  	s25 =	sor.u32 $0xC50, s22;
	v21 =	vld [tilespmem:s24+$0x8000]  }
0x130: {  	s28 =	sor.u32 $0xC00, s22;
	v33 =	vld [tilespmem:s25+$0x8000];
	v23 =	vshll.u32 v23, $0x8  }
0x131: {  	s26 =	sor.u32 $0xC70, s22;
	v50 =	vshll.u32 v44, $0x8;
	v44 =	vld [tilespmem:s28+$0x8000];
	v2 =	vadd.s32 v2, v23;
	v23 =	vshll.u32 v38, $0x8  }
0x132: {  	s29 =	sor.u32 $0xC20, s22;
	v38 =	vld [tilespmem:s26+$0x8000];
	v16 =	vadd.s32 v16, v23  }
0x133: {  	s31 =	sor.u32 $0xC30, s22;
	v62 =	vadd.s32 v17, v50;
	v17 =	vshll.u32 v46, $0x8;
	v46 =	vld [tilespmem:s29+$0x8000]  }
0x134: {  	s30 =	sor.u32 $0xC10, s22;
	v50 =	vld [tilespmem:s31+$0x8000];
	v23 =	vshll.u32 v49, $0x8;
	v22 =	vadd.s32 v22, v17  }
0x135: {  	v53 =	vshll.u32 v53, $0x8;
	v49 =	vld [tilespmem:s30+$0x8000];
	v42 =	vadd.s32 v42, v23  }
0x136: {  	v63 =	vshll.u32 v57, $0x8;
	v57 =	vadd.s32 v51, v53;
	v17 =	vld.idx.msk [tilespmem:v2+s10+$0x0], $0xffff  }
0x137: {  	v58 =	vshll.u32 v58, $0x8;
	v53 =	vadd.s32 v52, v63;
	v23 =	vld.idx.msk [tilespmem:v16+s10+$0x0], $0xffff  }
0x138: {  	v51 =	vadd.s32 v54, v58;
	v16 =	vld.idx.msk [tilespmem:v62+s10+$0x0], $0xffff;
	v62 =	vshll.u32 v59, $0x8  }
0x139: {  	s21 =	simm.s32 $0x0;
	s22 =	simm.s32 $0x2;
	v63 =	vshll.u32 v60, $0x8;
	v22 =	vld.idx.msk [tilespmem:v22+s10+$0x0], $0xffff;
	v54 =	vadd.s32 v55, v62  }
0x13a: {  	s23 =	simm.s32 $0x0;
	s24 =	smov.u32 s19;
	s25 =	simm.s32 $0x0;
	v52 =	vadd.s32 v56, v63;
	v2 =	vimm.f32 $0.0e+00;
	v55 =	vshll.u32 v61, $0x8;
	v42 =	vld.idx.msk [tilespmem:v42+s10+$0x0], $0xffff  }
.LBB2_8:
0x13b: {  	p0 =	sne.s32 s22, $0xE;
	v19 =	vadd.s32 v19, v55;
	v35 =	vshll.u32 v35, $0x8;
	v55 =	vld.idx.msk [tilespmem:v57+s10+$0x0], $0xffff  }
0x13c: {  	v41 =	vshll.u32 v41, $0x8;
	v18 =	vadd.s32 v18, v35;
	v35 =	vld.idx.msk [tilespmem:v53+s10+$0x0], $0xffff  }
0x13d: {  	v48 =	vshll.u32 v48, $0x8;
	v30 =	vadd.s32 v30, v41;
	v41 =	vld.idx.msk [tilespmem:v51+s10+$0x0], $0xffff  }
0x13e: {  	v47 =	vshll.u32 v47, $0x8;
	v40 =	vadd.s32 v40, v48;
	v48 =	vld.idx.msk [tilespmem:v54+s10+$0x0], $0xffff  }
0x13f: {  	v32 =	vshll.u32 v32, $0x8;
	v37 =	vadd.s32 v37, v47;
	v47 =	vld.idx.msk [tilespmem:v52+s10+$0x0], $0xffff  }
0x140: {  	v45 =	vshll.u32 v45, $0x8;
	v20 =	vadd.s32 v20, v32;
	v19 =	vld.idx.msk [tilespmem:v19+s10+$0x0], $0xffff  }
0x141: {  	v32 =	vadd.s32 v34, v45;
	v34 =	vshll.u32 v43, $0x8;
	v18 =	vld.idx.msk [tilespmem:v18+s10+$0x0], $0xffff  }
0x142: {  	v27 =	vshll.u32 v27, $0x8;
	v31 =	vadd.s32 v31, v34;
	v30 =	vld.idx.msk [tilespmem:v30+s10+$0x0], $0xffff  }
0x143: {  	v25 =	vshll.u32 v25, $0x8;
	v15 =	vadd.s32 v15, v27;
	v34 =	vld.idx.msk [tilespmem:v40+s10+$0x0], $0xffff  }
0x144: {  	v13 =	vshll.u32 v13, $0x8;
	v14 =	vadd.s32 v14, v25;
	v27 =	vld.idx.msk [tilespmem:v37+s10+$0x0], $0xffff  }
0x145: {  	v11 =	vshll.u32 v11, $0x8;
	v10 =	vadd.s32 v10, v13;
	v20 =	vld.idx.msk [tilespmem:v20+s10+$0x0], $0xffff  }
0x146: {  	v5 =	vshll.u32 v5, $0x8;
	v8 =	vshll.u32 v8, $0x8;
	v9 =	vadd.s32 v9, v11;
	v13 =	vld.idx.msk [tilespmem:v32+s10+$0x0], $0xffff  }
0x147: {  	v3 =	vadd.s32 v3, v5;
	v4 =	vadd.s32 v4, v8;
	v5 =	vshll.u32 v29, $0x8;
	v11 =	vld.idx.msk [tilespmem:v31+s10+$0x0], $0xffff  }
0x148: {  	v28 =	vshll.u32 v28, $0x8;
	v25 =	vshll.u32 v39, $0x8;
	v8 =	vld.idx.msk [tilespmem:v15+s10+$0x0], $0xffff;
	v15 =	vshll.u32 v36, $0x8  }
0x149: {  	v29 =	vshll.u32 v50, $0x8;
	v14 =	vld.idx.msk [tilespmem:v14+s10+$0x0], $0xffff;
	v15 =	vadd.s32 v26, v15;
	v26 =	vshll.u32 v49, $0x8  }
0x14a: {  	v31 =	vadd.f32 $0.0e+00, v34;
	v27 =	vadd.f32 $0.0e+00, v27;
	v10 =	vld.idx.msk [tilespmem:v10+s10+$0x0], $0xffff;
	v26 =	vadd.s32 v44, v26  }
0x14b: {  	v29 =	vadd.s32 v46, v29;
	v32 =	vshll.u32 v33, $0x8;
	v33 =	vshll.u32 v38, $0x8;
	v9 =	vld.idx.msk [tilespmem:v9+s10+$0x0], $0xffff  }
0x14c: {  	v24 =	vadd.s32 v24, v32;
	v30 =	vadd.f32 v30, v31;
	v20 =	vadd.f32 v20, v27;
	v3 =	vld.idx.msk [tilespmem:v3+s10+$0x0], $0xffff  }
0x14d: {  	v21 =	vadd.s32 v21, v33;
	v13 =	vadd.f32 $0.0e+00, v13;
	v11 =	vadd.f32 $0.0e+00, v11;
	v4 =	vld.idx.msk [tilespmem:v4+s10+$0x0], $0xffff  }
0x14e: {  	v12 =	vadd.s32 v12, v25;
	v19 =	vadd.f32 v19, v30;
	v18 =	vadd.f32 v18, v20;
	v15 =	vld.idx.msk [tilespmem:v15+s10+$0x0], $0xffff  }
0x14f: {  	v5 =	vadd.s32 v6, v5;
	v8 =	vadd.f32 v8, v13;
	v11 =	vadd.f32 v14, v11;
	v13 =	vld.idx.msk [tilespmem:v26+s10+$0x0], $0xffff  }
0x150: {  	v7 =	vadd.s32 v7, v28;
	v6 =	vadd.f32 v48, v19;
	v14 =	vadd.f32 v47, v18;
	v18 =	vld.idx.msk [tilespmem:v29+s10+$0x0], $0xffff  }
0x151: {  	v8 =	vadd.f32 v10, v8;
	v9 =	vadd.f32 v9, v11;
	v10 =	vld.idx.msk [tilespmem:v24+s10+$0x0], $0xffff  }
0x152: {  	v6 =	vadd.f32 v42, v6;
	v11 =	vadd.f32 v55, v14;
	v14 =	vld.idx.msk [tilespmem:v21+s10+$0x0], $0xffff  }
0x153: {  	s23 =	sadd.s32 $0x100, s23;
	s24 =	sadd.s32 $0x400, s24;
	v3 =	vadd.f32 v3, v8;
	v4 =	vadd.f32 v4, v9;
	v8 =	vld.idx.msk [tilespmem:v12+s10+$0x0], $0xffff  }
0x154: {  	s26 =	sand.u32 $0x7000, s24;
	s28 =	sand.u32 $0x300, s23;
	v6 =	vadd.f32 v17, v6;
	v9 =	vadd.f32 v23, v11;
	v5 =	vld.idx.msk [tilespmem:v5+s10+$0x0], $0xffff  }
0x155: {  	s26 =	sor.u32 s28, s26;
	v3 =	vadd.f32 v35, v3;
	v4 =	vadd.f32 v41, v4;
	v7 =	vld.idx.msk [tilespmem:v7+s10+$0x0], $0xffff  }
0x156: {  	v6 =	vadd.f32 v13, v6;
	v9 =	vadd.f32 v18, v9;
	v38 =	vld [tilespmem:s26+$0x88C0]  }
0x157: {  	v3 =	vadd.f32 v16, v3;
	v4 =	vadd.f32 v22, v4;
	v23 =	vld [tilespmem:s26+$0x88E0]  }
0x158: {  	v6 =	vadd.f32 v10, v6;
	v9 =	vadd.f32 v14, v9;
	v17 =	vld [tilespmem:s26+$0x8840]  }
0x159: {  	v3 =	vadd.f32 v15, v3;
	v4 =	vadd.f32 v8, v4;
	v16 =	vld [tilespmem:s26+$0x8860]  }
0x15a: {  	v6 =	vadd.f32 v9, v6;
	v33 =	vld [tilespmem:s26+$0x88D0]  }
0x15b: {  	v3 =	vadd.f32 v5, v3;
	v4 =	vadd.f32 v7, v4;
	v44 =	vld [tilespmem:s26+$0x88F0]  }
0x15c: {  	v5 =	vmul.f32 $1.953125000e-03, v6;
	v42 =	vld [tilespmem:s26+$0x8880]  }
0x15d: {  	v3 =	vadd.f32 v4, v3;
	v22 =	vld [tilespmem:s26+$0x88A0]  }
0x15e: {  	v49 =	vld [tilespmem:s26+$0x8850];
	(xrf2) =	vadd.scan.msk.f32 $0xffff, v5  }
0x15f: {  	v3 =	vmul.f32 $1.953125000e-03, v3;
	v46 =	vld [tilespmem:s26+$0x8870]  }
0x160: {  	v53 =	vld [tilespmem:s26+$0x8800]  }
0x161: {  	v51 =	vld [tilespmem:s26+$0x8820];
	(xrf2) =	vadd.scan.msk.f32 $0xffff, v3  }
0x162: {  	v59 =	vld [tilespmem:s26+$0x8890]  }
0x163: {  	v50 =	vld [tilespmem:s26+$0x88B0]  }
0x164: {  	v54 =	vld [tilespmem:s26+$0x84C0]  }
0x165: {  	v52 =	vld [tilespmem:s26+$0x84E0]  }
0x166: {  	v57 =	vld [tilespmem:s26+$0x8810]  }
0x167: {  	v55 =	vld [tilespmem:s26+$0x8830]  }
0x168: {  	v3 =	vld [tilespmem:s26+$0x8440];
	v5, _, _ =	vpop (xrf2)  }
0x169: {  	v4 =	vld [tilespmem:s26+$0x8460]  }
0x16a: {  	v58 =	vld [tilespmem:s26+$0x84D0]  }
0x16b: {  	v56 =	vld [tilespmem:s26+$0x84F0];
	v6, _, _ =	vpop (xrf2)  }
0x16c: {  	s28 =	sadd.s32 $0x1, s21;
	v7 =	vmov s21;
	s21 =	smov.u32 s22;
	v19 =	vld [tilespmem:s26+$0x8480];
	v6 =	vbroadcast v6, $0xF  }
0x16d: {  	vm0 =	veq.s32 v7, v0;
	v7 =	vmov s28;
	v9 =	vbroadcast v5, $0xF;
	v18 =	vld [tilespmem:s26+$0x84A0]  }
0x16e: {  	v5 =	vld [tilespmem:s26+$0x8450];
	v2 =	vsel vm0, v6, v2;
	vm0 =	veq.s32 v7, v0  }
0x16f: {  	v8 =	vld [tilespmem:s26+$0x8470];
	v2 =	vsel vm0, v9, v2  }
0x170: {  	v10 =	vld [tilespmem:s26+$0x8400]  }
0x171: {  	v9 =	vld [tilespmem:s26+$0x8420]  }
0x172: {  	v60 =	vld [tilespmem:s26+$0x8490]  }
0x173: {  	v35 =	vld [tilespmem:s26+$0x84B0]  }
0x174: {  	v30 =	vld [tilespmem:s26+$0x80C0]  }
0x175: {  	v20 =	vld [tilespmem:s26+$0x80E0]  }
0x176: {  	v13 =	vld [tilespmem:s26+$0x8410]  }
0x177: {  	v11 =	vld [tilespmem:s26+$0x8430]  }
0x178: {  	v15 =	vld [tilespmem:s26+$0x8040]  }
0x179: {  	v14 =	vld [tilespmem:s26+$0x8060]  }
0x17a: {  	v41 =	vld [tilespmem:s26+$0x80D0]  }
0x17b: {  	v32 =	vld [tilespmem:s26+$0x80F0]  }
0x17c: {  	v40 =	vld [tilespmem:s26+$0x8080]  }
0x17d: {  	v37 =	vld [tilespmem:s26+$0x80A0]  }
0x17e: {  	v27 =	vld [tilespmem:s26+$0x8050]  }
0x17f: {  	v25 =	vld [tilespmem:s26+$0x8070]  }
0x180: {  	v34 =	vld [tilespmem:s26+$0x8000]  }
0x181: {  	s25 =	sadd.s32 $0x1, s25;
	v31 =	vld [tilespmem:s26+$0x8020]  }
0x182: {  	s28 =	sand.u32 $0x3, s25;
	v48 =	vld [tilespmem:s26+$0x8090]  }
0x183: {  	s28 =	sshll.u32 s28, $0x8;
	v47 =	vld [tilespmem:s26+$0x80B0]  }
0x184: {  	s28 =	sadd.s32 s28, s24;
	v45 =	vld [tilespmem:s26+$0x8010]  }
0x185: {  	v43 =	vld [tilespmem:s26+$0x8030];
	s26 =	sor.u32 $0xC40, s28  }
0x186: {  	v6 =	vld [tilespmem:s26+$0x8000];
	s26 =	sor.u32 $0xC60, s28  }
0x187: {  	s29 =	sor.u32 $0xC50, s28;
	v7 =	vld [tilespmem:s26+$0x8000]  }
0x188: {  	s26 =	sor.u32 $0xC70, s28;
	v29 =	vld [tilespmem:s29+$0x8000]  }
0x189: {  	s29 =	sor.u32 $0xC00, s28;
	v28 =	vld [tilespmem:s26+$0x8000]  }
0x18a: {  	s26 =	sor.u32 $0xC20, s28;
	v26 =	vld [tilespmem:s29+$0x8000]  }
0x18b: {  	s29 =	sor.u32 $0xC10, s28;
	v12 =	vld [tilespmem:s26+$0x8000]  }
0x18c: {  	s26 =	sor.u32 $0xC30, s28;
	s28 =	sadd.s32 $0x80, s28;
	v36 =	vld [tilespmem:s29+$0x8000]  }
0x18d: {  	v39 =	vld [tilespmem:s26+$0x8000];
	s26 =	sor.u32 $0xC40, s28  }
0x18e: {  	v24 =	vld [tilespmem:s26+$0x8000];
	s26 =	sor.u32 $0xC60, s28  }
0x18f: {  	s29 =	sor.u32 $0xC50, s28;
	v21 =	vld [tilespmem:s26+$0x8000]  }
0x190: {  	v61 =	vshll.u32 v33, $0x8;
	s26 =	sor.u32 $0xC70, s28;
	v33 =	vld [tilespmem:s29+$0x8000]  }
0x191: {  	v61 =	vadd.s32 v38, v61;
	v44 =	vshll.u32 v44, $0x8;
	s29 =	sor.u32 $0xC00, s28;
	v38 =	vld [tilespmem:s26+$0x8000]  }
0x192: {  	v23 =	vadd.s32 v23, v44;
	v49 =	vshll.u32 v49, $0x8;
	s26 =	sor.u32 $0xC20, s28;
	v44 =	vld [tilespmem:s29+$0x8000]  }
0x193: {  	v62 =	vadd.s32 v17, v49;
	v17 =	vshll.u32 v46, $0x8;
	s29 =	sor.u32 $0xC10, s28;
	v46 =	vld [tilespmem:s26+$0x8000]  }
0x194: {  	v63 =	vadd.s32 v16, v17;
	v59 =	vshll.u32 v59, $0x8;
	s26 =	sor.u32 $0xC30, s28;
	v49 =	vld [tilespmem:s29+$0x8000]  }
0x195: {  	v42 =	vadd.s32 v42, v59;
	v16 =	vshll.u32 v50, $0x8;
	v50 =	vld [tilespmem:s26+$0x8000]  }
.Ltmp2:
0x196: {  	v59 =	vshll.u32 v57, $0x8;
	v57 =	vadd.s32 v22, v16;
	v17 =	vld.idx.msk [tilespmem:v61+s10+$0x0], $0xffff;
	(pc) =	sbr.rel @p0 .LBB2_8-.Ltmp2, $4  }
0x197: {  	v53 =	vadd.s32 v53, v59;
	v16 =	vshll.u32 v55, $0x8;
	v23 =	vld.idx.msk [tilespmem:v23+s10+$0x0], $0xffff  }
0x198: {  	v51 =	vadd.s32 v51, v16;
	v22 =	vshll.u32 v58, $0x8;
	v16 =	vld.idx.msk [tilespmem:v62+s10+$0x0], $0xffff  }
0x199: {  	v54 =	vadd.s32 v54, v22;
	v56 =	vshll.u32 v56, $0x8;
	v22 =	vld.idx.msk [tilespmem:v63+s10+$0x0], $0xffff  }
0x19a: {  	s22 =	sadd.s32 $0x2, s22;
	v52 =	vadd.s32 v52, v56;
	v55 =	vshll.u32 v60, $0x8;
	v42 =	vld.idx.msk [tilespmem:v42+s10+$0x0], $0xffff  }
0x19b: {  	_ =	sdelay $0x3  }
0x19c: {  	v19 =	vadd.s32 v19, v55;
	v35 =	vshll.u32 v35, $0x8;
	v55 =	vld.idx.msk [tilespmem:v57+s10+$0x0], $0xffff  }
0x19d: {  	v41 =	vshll.u32 v41, $0x8;
	v18 =	vadd.s32 v18, v35;
	v35 =	vld.idx.msk [tilespmem:v53+s10+$0x0], $0xffff  }
0x19e: {  	v48 =	vshll.u32 v48, $0x8;
	v30 =	vadd.s32 v30, v41;
	v41 =	vld.idx.msk [tilespmem:v51+s10+$0x0], $0xffff  }
0x19f: {  	v47 =	vshll.u32 v47, $0x8;
	v40 =	vadd.s32 v40, v48;
	v53 =	vld.idx.msk [tilespmem:v54+s10+$0x0], $0xffff  }
0x1a0: {  	v32 =	vshll.u32 v32, $0x8;
	v37 =	vadd.s32 v37, v47;
	v54 =	vld.idx.msk [tilespmem:v52+s10+$0x0], $0xffff  }
0x1a1: {  	v45 =	vshll.u32 v45, $0x8;
	v20 =	vadd.s32 v20, v32;
	v19 =	vld.idx.msk [tilespmem:v19+s10+$0x0], $0xffff  }
0x1a2: {  	v57 =	vshll.u32 v43, $0x8;
	v56 =	vadd.s32 v34, v45;
	v18 =	vld.idx.msk [tilespmem:v18+s10+$0x0], $0xffff  }
0x1a3: {  	v27 =	vshll.u32 v27, $0x8;
	v31 =	vadd.s32 v31, v57;
	v30 =	vld.idx.msk [tilespmem:v30+s10+$0x0], $0xffff  }
0x1a4: {  	v25 =	vshll.u32 v25, $0x8;
	v15 =	vadd.s32 v15, v27;
	v58 =	vld.idx.msk [tilespmem:v40+s10+$0x0], $0xffff  }
0x1a5: {  	v13 =	vshll.u32 v13, $0x8;
	v14 =	vadd.s32 v14, v25;
	v59 =	vld.idx.msk [tilespmem:v37+s10+$0x0], $0xffff  }
0x1a6: {  	v11 =	vshll.u32 v11, $0x8;
	v10 =	vadd.s32 v10, v13;
	v20 =	vld.idx.msk [tilespmem:v20+s10+$0x0], $0xffff  }
0x1a7: {  	v5 =	vshll.u32 v5, $0x8;
	v8 =	vshll.u32 v8, $0x8;
	v9 =	vadd.s32 v9, v11;
	v60 =	vld.idx.msk [tilespmem:v56+s10+$0x0], $0xffff  }
0x1a8: {  	v62 =	vshll.u32 v29, $0x8;
	v28 =	vshll.u32 v28, $0x8;
	v3 =	vadd.s32 v3, v5;
	v61 =	vld.idx.msk [tilespmem:v31+s10+$0x0], $0xffff  }
0x1a9: {  	v43 =	vshll.u32 v33, $0x8;
	v4 =	vadd.s32 v4, v8;
	v32 =	vshll.u32 v36, $0x8;
	v63 =	vld.idx.msk [tilespmem:v15+s10+$0x0], $0xffff  }
0x1aa: {  	v36 =	vshll.u32 v39, $0x8;
	v39 =	vshll.u32 v50, $0x8;
	v5 =	vadd.s32 v6, v62;
	v14 =	vld.idx.msk [tilespmem:v14+s10+$0x0], $0xffff  }
0x1ab: {  	v24 =	vadd.s32 v24, v43;
	v29 =	vadd.s32 v46, v39;
	v12 =	vadd.s32 v12, v36;
	v10 =	vld.idx.msk [tilespmem:v10+s10+$0x0], $0xffff  }
0x1ac: {  	v15 =	vadd.s32 v26, v32;
	v9 =	vld.idx.msk [tilespmem:v9+s10+$0x0], $0xffff;
	v40 =	vadd.f32 $0.0e+00, v58;
	v27 =	vadd.f32 $0.0e+00, v59  }
0x1ad: {  	v37 =	vshll.u32 v49, $0x8;
	v3 =	vld.idx.msk [tilespmem:v3+s10+$0x0], $0xffff;
	v13 =	vadd.f32 $0.0e+00, v60;
	v11 =	vadd.f32 $0.0e+00, v61  }
0x1ae: {  	v4 =	vld.idx.msk [tilespmem:v4+s10+$0x0], $0xffff;
	v26 =	vadd.s32 v44, v37;
	v30 =	vadd.f32 v30, v40;
	v20 =	vadd.f32 v20, v27  }
0x1af: {  	v5 =	vld.idx.msk [tilespmem:v5+s10+$0x0], $0xffff;
	v44 =	vshll.u32 v38, $0x8;
	v8 =	vadd.f32 v63, v13;
	v11 =	vadd.f32 v14, v11  }
0x1b0: {  	v50 =	vld.idx.msk [tilespmem:v29+s10+$0x0], $0xffff;
	v21 =	vadd.s32 v21, v44;
	v45 =	vadd.f32 v19, v30;
	v46 =	vadd.f32 v18, v20  }
0x1b1: {  	v7 =	vadd.s32 v7, v28;
	v15 =	vld.idx.msk [tilespmem:v15+s10+$0x0], $0xffff;
	v8 =	vadd.f32 v10, v8;
	v9 =	vadd.f32 v9, v11  }
0x1b2: {  	v58 =	vld.idx.msk [tilespmem:v12+s10+$0x0], $0xffff;
	v51 =	vadd.f32 v53, v45;
	v52 =	vadd.f32 v54, v46  }
0x1b3: {  	v49 =	vld.idx.msk [tilespmem:v26+s10+$0x0], $0xffff;
	v3 =	vadd.f32 v3, v8;
	v4 =	vadd.f32 v4, v9  }
0x1b4: {  	v53 =	vld.idx.msk [tilespmem:v24+s10+$0x0], $0xffff;
	v56 =	vadd.f32 v42, v51;
	v57 =	vadd.f32 v55, v52  }
0x1b5: {  	v54 =	vld.idx.msk [tilespmem:v21+s10+$0x0], $0xffff;
	v3 =	vadd.f32 v35, v3;
	v4 =	vadd.f32 v41, v4  }
0x1b6: {  	v7 =	vld.idx.msk [tilespmem:v7+s10+$0x0], $0xffff;
	v8 =	vadd.f32 v17, v56;
	v9 =	vadd.f32 v23, v57  }
0x1b7: {  	v3 =	vadd.f32 v16, v3;
	v4 =	vadd.f32 v22, v4  }
0x1b8: {  	v8 =	vadd.f32 v49, v8;
	v6 =	vadd.f32 v50, v9  }
0x1b9: {  	v3 =	vadd.f32 v15, v3;
	v4 =	vadd.f32 v58, v4  }
0x1ba: {  	v8 =	vadd.f32 v53, v8;
	v6 =	vadd.f32 v54, v6  }
0x1bb: {  	v3 =	vadd.f32 v5, v3;
	v4 =	vadd.f32 v7, v4  }
0x1bc: {  	v59 =	vadd.f32 v6, v8  }
0x1bd: {  	v3 =	vadd.f32 v4, v3  }
0x1be: {  	v60 =	vmul.f32 $1.953125000e-03, v59  }
0x1bf: {  	v3 =	vmul.f32 $1.953125000e-03, v3  }
0x1c0: {  	(xrf2) =	vadd.scan.msk.f32 $0xffff, v60  }
0x1c1: {  	(xrf2) =	vadd.scan.msk.f32 $0xffff, v3;
	_ =	sdelay $0x8  }
0x1c2: {  	s31 =	sshll.u32 s20, $0x4;
	s20 =	sadd.s32 $0x1, s20;
	v3, _, _ =	vpop (xrf2)  }
0x1c3: {  	p0 =	sne.s32 s20, $0x4;
	v61, _, _ =	vpop (xrf2)  }
.Ltmp3:
0x1c4: {  	s30 =	sadd.s32 $0x1, s21;
	v62 =	vmov s21;
	v4 =	vbroadcast v61, $0xF;
	(pc) =	sbr.rel @p0 .LBB2_7-.Ltmp3, $4  }
0x1c5: {  	vm0 =	veq.s32 v62, v0;
	v63 =	vmov s30;
	v3 =	vbroadcast v3, $0xF  }
0x1c6: {  	vm15 =	veq.s32 v63, v0;
	v2 =	vsel vm0, v4, v2  }
0x1c7: {  	s21 =	sand.u32 $0x3FFFFFF0, s31;
	v2 =	vsel vm15, v3, v2  }
0x1c8: {  	s19 =	sadd.s32 $0x2000, s19;
	[tilespmem:v1+s21+$0x0 ss:$0x1] =	vst.idx.msk $0xffff, v2  }
0x1c9: {  	s17 =	sadd.s32 $0x1, s17  }
0x1ca: {  	p0 =	sne.s32 s17, $0x4  }
.Ltmp4:
0x1cb: {  	_ = 	snop;
	(pc) =	sbr.rel @p0 .LBB2_2-.Ltmp4, $1  }
0x1cc: {  	_ =	sdelay $0x3  }
0x1cd: {  	s16 =	sadd.s32 $0x1, s16  }
0x1ce: {  	p0 =	sne.s32 s16, s9  }
.Ltmp5:
0x1cf: {  	_ = 	snop;
	(pc) =	sbr.rel @p0 .LBB2_1-.Ltmp5, $4  }
0x1d0: {  	[hbm4b:s8+s3] =	stream.linear.scatter [tilespmem:s15], [sflag:$0x3], $0x200, $0x38;
	[tilespmem:$0x16000] =	vst v63  }
0x1d1: {  	_ =	swait.ge [sflag:s11], $0x200  }
0x1d2: {  	[sflag:s11] =	ssyncset.done $0x0  }
0x1d3: {  	[sflag:s11] =	ssyncadd.s32 $0xFFFFFE00  }
0x1d4: {  	_ =	sfence.sel $0x180000  }
0x1d5: {  	[bflag:$0x0] =	sbarrier.arrive $0xFFFF  }
0x1d6: {  	p0 =	sne.s32 s2, $0x0;
	_ =	strace $0x90000047  }
0x1d7: {  	s0 =	sadd.s32 @!p0 $0x100000, s0;
	[bflag:$0x2] =	sbarrier.arrive $0xFFFF  }
0x1d8: {  	[sflag:s0] =	ssyncadd.tile.s32 @!p0 $0x1;
	_ =	shalt  }
.Lfunc_end2:
_tile_overlayer_lowered:
.L_overlay_start_2:
0x1d9: {  	(tag) =	ssettag $0x2  }
0x1da: {  	s0 =	rddreg [dreg:$0x0];
	s2 =	stileid.u32  }
0x1db: {  	s1 =	rddreg [dreg:$0x1];
	p0 =	sne.s32 s2, $0x0  }
0x1dc: {  	s3 =	rddreg [dreg:$0x2];
	[bflag:$0x3] =	sbarrier.arrive $0xFFFF;
	s2 =	simm.s32 @!p0 $0x1C03  }
0x1dd: {  	[timem:s3], [sflag:s2] =	dma.local @!p0 [hbm:s0], s1  }
0x1de: {  	s0 =	simm.s32 @!p0 $0x3  }
0x1df: {  	_ =	swait.ge @!p0 [sflag:s0], s1  }
0x1e0: {  	s1 =	ssub.s32 @!p0 $0x0, s1;
	[sflag:s0] =	ssyncset.done @!p0 $0x0  }
0x1e1: {  	[sflag:s0] =	ssyncadd.s32 @!p0 s1  }
0x1e2: {  	[bflag:$0x3] =	sbarrier.arrive $0xFFFF  }
0x1e3: {  	_ =	shalt  }

</sc_bundles>
